<compile_context>
chip_gen: v7x
topology: tpu7x:2x2x1
jax: 0.10.2.dev20260603
libtpu: 0.0.44.dev20260713+nightly
codegen_flags: <defaults>
</compile_context>

<pallas_src>
import functools

import jax
import jax.numpy as jnp
from jax import lax
from jax.experimental import pallas as pl
from jax.experimental.pallas import tpu as pltpu
from jax.experimental.pallas import tpu_sc as plsc

N = 10000
E = 320000
D = 128

NC = 2
NS = 16
NW = NC * NS
EPW = E // NW
CH = 100
NCH = EPW // CH
RPT = N // NS
ZR = 125
BR = 1000
GRID = N // BR
BR1 = 1024
GRID1 = 10

DEGP = 10240

_mesh = plsc.VectorSubcoreMesh(core_axis_name="c", subcore_axis_name="s")


@functools.partial(
    pl.kernel,
    out_type=jax.ShapeDtypeStruct((NW, DEGP), jnp.float32),
    mesh=_mesh,
    compiler_params=pltpu.CompilerParams(needs_layout_passes=False, use_tc_tiling_on_sc=False),
    scratch_types=[
        pltpu.VMEM((DEGP,), jnp.float32),
        pltpu.VMEM((EPW,), jnp.int32),
    ],
)
def _deg_kernel(dst_hbm, out_hbm, dv, dbuf):
    cid = lax.axis_index("c")
    sid = lax.axis_index("s")
    wid = cid * NS + sid

    def zero_body(i, carry):
        dv[pl.ds(i * 16, 16)] = jnp.zeros((16,), jnp.float32)
        return carry

    lax.fori_loop(0, DEGP // 16, zero_body, 0)

    base = pl.multiple_of(wid * EPW, 8)
    pltpu.sync_copy(dst_hbm.at[pl.ds(base, EPW)], dbuf)

    ones = jnp.ones((16,), jnp.float32)

    def acc_body(j, carry):
        idx = dbuf[pl.ds(j * 16, 16)]
        plsc.addupdate_scatter(dv, [idx], ones)
        return carry

    lax.fori_loop(0, EPW // 16, acc_body, 0)
    pltpu.sync_copy(dv, out_hbm.at[wid])


@functools.partial(
    pl.kernel,
    out_type=jax.ShapeDtypeStruct((NC, N, D), jnp.float32),
    mesh=_mesh,
    compiler_params=pltpu.CompilerParams(needs_layout_passes=False, use_tc_tiling_on_sc=False),
    scratch_types=[
        pltpu.VMEM_SHARED((N, D), jnp.float32),
        pltpu.VMEM((NCH, CH), jnp.int32),
        pltpu.VMEM((NCH, CH), jnp.int32),
        pltpu.VMEM((CH, D), jnp.float32),
        pltpu.VMEM((CH, D), jnp.float32),
        pltpu.SemaphoreType.DMA,
        pltpu.SemaphoreType.DMA,
        pltpu.SemaphoreType.DMA,
    ],
)
def _scatter_kernel(g_hbm, src_hbm, dst_hbm, out_hbm,
                    acc, sbuf, dbuf, rb0, rb1, sem0, sem1, six):
    cid = lax.axis_index("c")
    sid = lax.axis_index("s")
    wid = cid * NS + sid

    ix_s = pltpu.async_copy(src_hbm.at[pl.ds(wid * NCH, NCH)], sbuf, six)
    ix_d = pltpu.async_copy(dst_hbm.at[pl.ds(wid * NCH, NCH)], dbuf, six)

    def zero_rows(i, carry):
        def zrow(j, inner):
            rb0[i, pl.ds(j * 16, 16)] = jnp.zeros((16,), jnp.float32)
            return inner
        return lax.fori_loop(0, D // 16, zrow, carry)

    lax.fori_loop(0, CH, zero_rows, 0)

    for k in range(RPT // CH):
        pltpu.sync_copy(rb0, acc.at[pl.ds(sid * RPT + k * CH, CH)])
    rem = RPT - (RPT // CH) * CH
    if rem:
        pltpu.sync_copy(rb0.at[pl.ds(0, rem)],
                        acc.at[pl.ds(sid * RPT + (RPT // CH) * CH, rem)])
    ix_s.wait()
    ix_d.wait()
    plsc.subcore_barrier()

    pltpu.async_copy(g_hbm.at[sbuf.at[0]], rb0, sem0)

    def pair_body(p, carry):
        k0 = 2 * p
        k1 = k0 + 1
        k2 = k0 + 2
        pltpu.async_copy(g_hbm.at[sbuf.at[k1]], rb1, sem1)
        pltpu.make_async_copy(g_hbm.at[sbuf.at[k0]], rb0, sem0).wait()
        pltpu.sync_copy(rb0, acc.at[dbuf.at[k0]], add=True)
        pltpu.async_copy(g_hbm.at[sbuf.at[k2]], rb0, sem0)
        pltpu.make_async_copy(g_hbm.at[sbuf.at[k1]], rb1, sem1).wait()
        pltpu.sync_copy(rb1, acc.at[dbuf.at[k1]], add=True)
        return carry

    lax.fori_loop(0, (NCH - 1) // 2, pair_body, 0)
    if NCH % 2 == 0:
        pltpu.async_copy(g_hbm.at[sbuf.at[NCH - 1]], rb1, sem1)
        pltpu.make_async_copy(g_hbm.at[sbuf.at[NCH - 2]], rb0, sem0).wait()
        pltpu.sync_copy(rb0, acc.at[dbuf.at[NCH - 2]], add=True)
        pltpu.make_async_copy(g_hbm.at[sbuf.at[NCH - 1]], rb1, sem1).wait()
        pltpu.sync_copy(rb1, acc.at[dbuf.at[NCH - 1]], add=True)
    else:
        pltpu.make_async_copy(g_hbm.at[sbuf.at[NCH - 1]], rb0, sem0).wait()
        pltpu.sync_copy(rb0, acc.at[dbuf.at[NCH - 1]], add=True)

    plsc.subcore_barrier()
    pltpu.sync_copy(acc.at[pl.ds(sid * RPT, RPT)],
                    out_hbm.at[cid, pl.ds(sid * RPT, RPT), :])


def _in_body(x_ref, wi_ref, bi_ref, w0_ref, dp_ref, h_ref, g_ref, dc_ref):
    cd = (((1,), (1,)), ((), ()))
    h = lax.dot_general(x_ref[...], wi_ref[...], cd,
                        preferred_element_type=jnp.float32) + bi_ref[...]
    h_ref[...] = h
    hw = lax.dot_general(h, w0_ref[...], cd,
                         preferred_element_type=jnp.float32)
    ones = jnp.ones((NW, 1), jnp.float32)
    s = lax.dot_general(dp_ref[...], ones, (((0,), (0,)), ((), ())),
                        preferred_element_type=jnp.float32)
    dinv = lax.rsqrt(1.0 + s)
    dc_ref[...] = dinv
    g_ref[...] = hw * dinv


def _mid_body(h_ref, g_ref, pa_ref, pb_ref, dinv_ref, cb_ref, lg_ref, lb_ref,
              w1_ref, h1_ref, g1_ref):
    dinv = dinv_ref[...]
    y = dinv * (pa_ref[0] + pb_ref[0] + g_ref[...]) + cb_ref[...]
    m = jnp.mean(y, axis=1, keepdims=True)
    c = y - m
    v = jnp.mean(c * c, axis=1, keepdims=True)
    yn = c * lax.rsqrt(v + 1e-5) * lg_ref[...] + lb_ref[...]
    h1 = h_ref[...] + jnp.maximum(yn, 0.0)
    h1_ref[...] = h1
    cd = (((1,), (1,)), ((), ()))
    g1_ref[...] = lax.dot_general(h1, w1_ref[...], cd,
                                  preferred_element_type=jnp.float32) * dinv


def _out_body(h_ref, g_ref, pa_ref, pb_ref, dinv_ref, cb_ref, lg_ref, lb_ref,
              ow_ref, ob_ref, o_ref):
    dinv = dinv_ref[...]
    y = dinv * (pa_ref[0] + pb_ref[0] + g_ref[...]) + cb_ref[...]
    m = jnp.mean(y, axis=1, keepdims=True)
    c = y - m
    v = jnp.mean(c * c, axis=1, keepdims=True)
    yn = c * lax.rsqrt(v + 1e-5) * lg_ref[...] + lb_ref[...]
    h2 = h_ref[...] + jnp.maximum(yn, 0.0)
    cd = (((1,), (1,)), ((), ()))
    o_ref[...] = lax.dot_general(h2, ow_ref[...], cd,
                                 preferred_element_type=jnp.float32) + ob_ref[...]


def _row_spec():
    return pl.BlockSpec((BR, D), lambda i: (i, 0))


def _w_spec():
    return pl.BlockSpec((D, D), lambda i: (0, 0))


def _v_spec():
    return pl.BlockSpec((1, D), lambda i: (0, 0))


def _dinv_spec():
    return pl.BlockSpec((BR, 1), lambda i: (i, 0))


def _p_spec(c):
    return pl.BlockSpec((1, BR, D), lambda i, c=c: (c, i, 0))


_f32 = jnp.float32


def kernel(x, edge_index, in_w, in_b, conv_w0, conv_b0, ln_g0, ln_b0,
           conv_w1, conv_b1, ln_g1, ln_b1, out_w, out_b):
    src2d = edge_index[0].reshape(E // CH, CH)
    dst2d = edge_index[1].reshape(E // CH, CH)
    dst_flat = edge_index[1]

    degp = _deg_kernel(dst_flat)

    h, g0, dinv_col = pl.pallas_call(
        _in_body,
        grid=(GRID1,),
        in_specs=[pl.BlockSpec((BR1, D), lambda i: (i, 0)),
                  pl.BlockSpec((D, D), lambda i: (0, 0)),
                  pl.BlockSpec((1, D), lambda i: (0, 0)),
                  pl.BlockSpec((D, D), lambda i: (0, 0)),
                  pl.BlockSpec((NW, BR1), lambda i: (0, i))],
        out_specs=[pl.BlockSpec((BR1, D), lambda i: (i, 0)),
                   pl.BlockSpec((BR1, D), lambda i: (i, 0)),
                   pl.BlockSpec((BR1, 1), lambda i: (i, 0))],
        out_shape=[jax.ShapeDtypeStruct((N, D), _f32),
                   jax.ShapeDtypeStruct((N, D), _f32),
                   jax.ShapeDtypeStruct((N, 1), _f32)],
    )(x, in_w, in_b.reshape(1, D), conv_w0, degp)

    p0 = _scatter_kernel(g0, src2d, dst2d)

    h1, g1 = pl.pallas_call(
        _mid_body,
        grid=(GRID,),
        in_specs=[_row_spec(), _row_spec(), _p_spec(0), _p_spec(1),
                  _dinv_spec(), _v_spec(), _v_spec(), _v_spec(), _w_spec()],
        out_specs=[_row_spec(), _row_spec()],
        out_shape=[jax.ShapeDtypeStruct((N, D), _f32),
                   jax.ShapeDtypeStruct((N, D), _f32)],
    )(h, g0, p0, p0, dinv_col, conv_b0.reshape(1, D), ln_g0.reshape(1, D),
      ln_b0.reshape(1, D), conv_w1)

    p1 = _scatter_kernel(g1, src2d, dst2d)

    out = pl.pallas_call(
        _out_body,
        grid=(GRID,),
        in_specs=[_row_spec(), _row_spec(), _p_spec(0), _p_spec(1),
                  _dinv_spec(), _v_spec(), _v_spec(), _v_spec(), _w_spec(),
                  _v_spec()],
        out_specs=_row_spec(),
        out_shape=jax.ShapeDtypeStruct((N, D), _f32),
    )(h1, g1, p1, p1, dinv_col, conv_b1.reshape(1, D), ln_g1.reshape(1, D),
      ln_b1.reshape(1, D), out_w, out_b.reshape(1, D))

    return out

# --- scband reference (transcript-rebuilt; emitter-appended) ---
"""Pipeline reference for scband-res-net-gnnbase-14697378087198 (READ-ONLY COPY).

The authoritative reference and input builder live on the scoring server;
editing this copy changes nothing except your own understanding.
"""

import jax, jax.numpy as jnp
import numpy as np

N = 10000
E = 320000
D = 128


def _init_lin(key, fan_in, shape):
    bound = 1.0 / np.sqrt(fan_in)
    return jax.random.uniform(key, shape, dtype=jnp.float32, minval=-bound, maxval=bound)


def setup_inputs(seed: int = 0) -> dict:
    key = jax.random.key(seed)
    ks = jax.random.split(key, 16)
    x = jax.random.normal(ks[0], (N, D), dtype=jnp.float32)
    edge_index = jax.random.randint(ks[1], (2, E), 0, N, dtype=jnp.int32)
    inp = {
        'x': x,
        'edge_index': edge_index,
        'in_w': _init_lin(ks[2], D, (D, D)),
        'in_b': _init_lin(ks[3], D, (D,)),
        'conv_w0': _init_lin(ks[4], D, (D, D)),
        'conv_b0': jnp.zeros((D,), dtype=jnp.float32),
        'ln_g0': jnp.ones((D,), dtype=jnp.float32),
        'ln_b0': jnp.zeros((D,), dtype=jnp.float32),
        'conv_w1': _init_lin(ks[5], D, (D, D)),
        'conv_b1': jnp.zeros((D,), dtype=jnp.float32),
        'ln_g1': jnp.ones((D,), dtype=jnp.float32),
        'ln_b1': jnp.zeros((D,), dtype=jnp.float32),
        'out_w': _init_lin(ks[6], D, (D, D)),
        'out_b': _init_lin(ks[7], D, (D,)),
    }
    return inp


def _layer_norm(y, g, b):
    m = jnp.mean(y, axis=-1, keepdims=True)
    v = jnp.var(y, axis=-1, keepdims=True)
    return (y - m) / jnp.sqrt(v + 1e-5) * g + b


def _gcn_conv(h, edge_index, W, bias):
    # PyG GCNConv: add self loops, symmetric normalization, linear, scatter-add, bias
    n = h.shape[0]
    loop = jnp.arange(n, dtype=edge_index.dtype)
    src = jnp.concatenate([edge_index[0], loop])
    dst = jnp.concatenate([edge_index[1], loop])
    deg = jnp.zeros((n,), dtype=h.dtype).at[dst].add(1.0)
    dinv = jnp.where(deg > 0, jax.lax.rsqrt(deg), 0.0)
    norm = dinv[src] * dinv[dst]
    hw = h @ W.T
    msg = hw[src] * norm[:, None]
    out = jnp.zeros_like(hw).at[dst].add(msg)
    return out + bias


def reference(x, edge_index, in_w, in_b, conv_w0, conv_b0, ln_g0, ln_b0, conv_w1, conv_b1, ln_g1, ln_b1, out_w, out_b):
    # eval mode: dropout is identity
    h = x @ in_w.T + in_b
    for cw, cb, g, b in ((conv_w0, conv_b0, ln_g0, ln_b0), (conv_w1, conv_b1, ln_g1, ln_b1)):
        y = _gcn_conv(h, edge_index, cw, cb)
        y = _layer_norm(y, g, b)
        y = jax.nn.relu(y)
        h = h + y
    return h @ out_w.T + out_b

if __name__ == "__main__":
    import jax
    _d = setup_inputs()
    print(jax.jit(kernel)(*tuple(_d.values())))

</pallas_src>

<mosaic_0001>
#map = affine_map<(d0, d1) -> (0)>
#map1 = affine_map<(d0, d1) -> (0, 0)>
module attributes {stable_mosaic.version = 14 : i64} {
  func.func @_deg_kernel(%arg0: i32, %arg1: i32, %arg2: memref<320000xi32, #tpu.memory_space<hbm>>, %arg3: memref<32x10240xf32, #tpu.memory_space<hbm>>, %arg4: memref<10240xf32, #tpu.memory_space<vmem>>, %arg5: memref<10000xi32, #tpu.memory_space<vmem>>) attributes {dimension_semantics = [#tpu.dimension_semantics<core_parallel>, #tpu.dimension_semantics<subcore_parallel>], iteration_bounds = array<i64: 2, 16>, scalar_prefetch = 0 : i64, scratch_operands = 2 : i64, tpu.core_type = #tpu.core_type<sc_vector_subcore>, window_params = [{transform_indices = #map}, {transform_indices = #map1}]} {
    %mul3A = arith.constant 16 : i32
    %mul3A_0 = arith.muli %arg0, %mul3A : i32
    %add3A = arith.addi %mul3A_0, %arg1 : i32
    %scan3A = arith.constant 0 : i32
    %scan3A_1 = arith.constant 0 : i32
    %scan3A_2 = arith.constant 640 : i32
    %scan3A_3 = arith.addi %scan3A_1, %scan3A_2 : i32
    %scan3A_4 = arith.constant 1 : i32
    scf.for %scan3A_15 = %scan3A_1 to %scan3A_3 step %scan3A_4  : i32 {
      %broadcast_in_dim3A_16 = arith.constant 0.000000e+00 : f32
      %broadcast_in_dim3A_17 = vector.broadcast %broadcast_in_dim3A_16 : f32 to vector<16xf32>
      %mul3A_18 = arith.constant 16 : i32
      %mul3A_19 = arith.muli %scan3A_15, %mul3A_18 : i32
      %swap3A = arith.index_cast %mul3A_19 : i32 to index
      %swap3A_20 = tpu.vector_load %arg4[%swap3A] {strides = array<i32>} : memref<10240xf32, #tpu.memory_space<vmem>>, vector<16xf32>,
      tpu.vector_store %arg4[%swap3A], %broadcast_in_dim3A_17 {strides = array<i32>} : memref<10240xf32, #tpu.memory_space<vmem>>, vector<16xf32>,
    }
    %scan3A_5 = arith.constant 640 : i32
    %mul3A_6 = arith.constant 10000 : i32
    %mul3A_7 = arith.muli %add3A, %mul3A_6 : i32
    %multiple_of3A = tpu.assume_multiple %mul3A_7, 8 : i32
    "tpu.region"() ({
      %run_scoped3A = tpu.sem_alloc : memref<!tpu.dma_semaphore, #tpu.memory_space<semaphore_mem>>
      %dma_start3A = tpu.memref_slice %arg2[%multiple_of3A] : memref<320000xi32, #tpu.memory_space<hbm>> -> memref<10000xi32, #tpu.memory_space<hbm>>
      %dma_start3A_15 = tpu.memref_slice %arg2[%multiple_of3A] : memref<320000xi32, #tpu.memory_space<hbm>> -> memref<10000xi32, #tpu.memory_space<hbm>>
      tpu.enqueue_dma source(%dma_start3A_15 : memref<10000xi32, #tpu.memory_space<hbm>>) target(%arg5 : memref<10000xi32, #tpu.memory_space<vmem>>) target_semaphore(%run_scoped3A : memref<!tpu.dma_semaphore, #tpu.memory_space<semaphore_mem>>)
      %dma_wait3A = tpu.memref_slice %arg2[%multiple_of3A] : memref<320000xi32, #tpu.memory_space<hbm>> -> memref<10000xi32, #tpu.memory_space<hbm>>
      %dma_wait3A_16 = tpu.memref_slice %arg2[%multiple_of3A] : memref<320000xi32, #tpu.memory_space<hbm>> -> memref<10000xi32, #tpu.memory_space<hbm>>
      tpu.wait_dma2 semaphore(%run_scoped3A : memref<!tpu.dma_semaphore, #tpu.memory_space<semaphore_mem>>) src(%dma_wait3A_16 : memref<10000xi32, #tpu.memory_space<hbm>>) dst(%arg5 : memref<10000xi32, #tpu.memory_space<vmem>>)
      tpu.yield
    }) : () -> ()
    %broadcast_in_dim3A = arith.constant 1.000000e+00 : f32
    %broadcast_in_dim3A_8 = vector.broadcast %broadcast_in_dim3A : f32 to vector<16xf32>
    %scan3A_9 = arith.constant 0 : i32
    %scan3A_10 = arith.constant 0 : i32
    %scan3A_11 = arith.constant 625 : i32
    %scan3A_12 = arith.addi %scan3A_10, %scan3A_11 : i32
    %scan3A_13 = arith.constant 1 : i32
    scf.for %scan3A_15 = %scan3A_10 to %scan3A_12 step %scan3A_13  : i32 {
      %mul3A_16 = arith.constant 16 : i32
      %mul3A_17 = arith.muli %scan3A_15, %mul3A_16 : i32
      %get3A = arith.index_cast %mul3A_17 : i32 to index
      %get3A_18 = tpu.vector_load %arg5[%get3A] {strides = array<i32>} : memref<10000xi32, #tpu.memory_space<vmem>>, vector<16xi32>,
      tpu.vector_store_idx %arg4[%get3A_18], %broadcast_in_dim3A_8 {add = true} : memref<10240xf32, #tpu.memory_space<vmem>>[vector<16xi32>], vector<16xf32>,
    }
    %scan3A_14 = arith.constant 625 : i32
    "tpu.region"() ({
      %run_scoped3A = tpu.sem_alloc : memref<!tpu.dma_semaphore, #tpu.memory_space<semaphore_mem>>
      %dma_start3A = arith.constant 0 : i32
      %dma_start3A_15 = tpu.memref_slice %arg3[%add3A, %dma_start3A] : memref<32x10240xf32, #tpu.memory_space<hbm>> -> memref<1x10240xf32, #tpu.memory_space<hbm>>
      %dma_start3A_16 = tpu.memref_squeeze %dma_start3A_15 : memref<1x10240xf32, #tpu.memory_space<hbm>> -> memref<10240xf32, #tpu.memory_space<hbm>>
      %dma_start3A_17 = arith.constant 0 : i32
      %dma_start3A_18 = tpu.memref_slice %arg3[%add3A, %dma_start3A_17] : memref<32x10240xf32, #tpu.memory_space<hbm>> -> memref<1x10240xf32, #tpu.memory_space<hbm>>
      %dma_start3A_19 = tpu.memref_squeeze %dma_start3A_18 : memref<1x10240xf32, #tpu.memory_space<hbm>> -> memref<10240xf32, #tpu.memory_space<hbm>>
      tpu.enqueue_dma source(%arg4 : memref<10240xf32, #tpu.memory_space<vmem>>) target(%dma_start3A_19 : memref<10240xf32, #tpu.memory_space<hbm>>) target_semaphore(%run_scoped3A : memref<!tpu.dma_semaphore, #tpu.memory_space<semaphore_mem>>)
      %dma_wait3A = arith.constant 0 : i32
      %dma_wait3A_20 = tpu.memref_slice %arg3[%add3A, %dma_wait3A] : memref<32x10240xf32, #tpu.memory_space<hbm>> -> memref<1x10240xf32, #tpu.memory_space<hbm>>
      %dma_wait3A_21 = tpu.memref_squeeze %dma_wait3A_20 : memref<1x10240xf32, #tpu.memory_space<hbm>> -> memref<10240xf32, #tpu.memory_space<hbm>>
      %dma_wait3A_22 = arith.constant 0 : i32
      %dma_wait3A_23 = tpu.memref_slice %arg3[%add3A, %dma_wait3A_22] : memref<32x10240xf32, #tpu.memory_space<hbm>> -> memref<1x10240xf32, #tpu.memory_space<hbm>>
      %dma_wait3A_24 = tpu.memref_squeeze %dma_wait3A_23 : memref<1x10240xf32, #tpu.memory_space<hbm>> -> memref<10240xf32, #tpu.memory_space<hbm>>
      tpu.wait_dma2 semaphore(%run_scoped3A : memref<!tpu.dma_semaphore, #tpu.memory_space<semaphore_mem>>) src(%arg4 : memref<10240xf32, #tpu.memory_space<vmem>>) dst(%dma_wait3A_24 : memref<10240xf32, #tpu.memory_space<hbm>>)
      tpu.yield
    }) : () -> ()
    return
  }
}

#map = affine_map<(d0, d1) -> (0, 0)>
#map1 = affine_map<(d0, d1) -> (0, 0, 0)>
module attributes {stable_mosaic.version = 14 : i64} {
  func.func @_scatter_kernel(%arg0: i32, %arg1: i32, %arg2: memref<10000x128xf32, #tpu.memory_space<hbm>>, %arg3: memref<3200x100xi32, #tpu.memory_space<hbm>>, %arg4: memref<3200x100xi32, #tpu.memory_space<hbm>>, %arg5: memref<2x10000x128xf32, #tpu.memory_space<hbm>>, %arg6: memref<10000x128xf32, #tpu.memory_space<vmem_shared>>, %arg7: memref<100x100xi32, #tpu.memory_space<vmem>>, %arg8: memref<100x100xi32, #tpu.memory_space<vmem>>, %arg9: memref<100x128xf32, #tpu.memory_space<vmem>>, %arg10: memref<100x128xf32, #tpu.memory_space<vmem>>, %arg11: memref<!tpu.dma_semaphore, #tpu.memory_space<semaphore_mem>>, %arg12: memref<!tpu.dma_semaphore, #tpu.memory_space<semaphore_mem>>, %arg13: memref<!tpu.dma_semaphore, #tpu.memory_space<semaphore_mem>>) attributes {dimension_semantics = [#tpu.dimension_semantics<core_parallel>, #tpu.dimension_semantics<subcore_parallel>], iteration_bounds = array<i64: 2, 16>, scalar_prefetch = 0 : i64, scratch_operands = 8 : i64, tpu.core_type = #tpu.core_type<sc_vector_subcore>, window_params = [{transform_indices = #map}, {transform_indices = #map}, {transform_indices = #map}, {transform_indices = #map1}]} {
    %mul3A = arith.constant 16 : i32
    %mul3A_0 = arith.muli %arg0, %mul3A : i32
    %add3A = arith.addi %mul3A_0, %arg1 : i32
    %mul3A_1 = arith.constant 100 : i32
    %mul3A_2 = arith.muli %add3A, %mul3A_1 : i32
    %dma_start3A = arith.constant 0 : i32
    %dma_start3A_3 = tpu.memref_slice %arg3[%mul3A_2, %dma_start3A] : memref<3200x100xi32, #tpu.memory_space<hbm>> -> memref<100x100xi32, #tpu.memory_space<hbm>>
    %dma_start3A_4 = arith.constant 0 : i32
    %dma_start3A_5 = tpu.memref_slice %arg3[%mul3A_2, %dma_start3A_4] : memref<3200x100xi32, #tpu.memory_space<hbm>> -> memref<100x100xi32, #tpu.memory_space<hbm>>
    tpu.enqueue_dma source(%dma_start3A_5 : memref<100x100xi32, #tpu.memory_space<hbm>>) target(%arg7 : memref<100x100xi32, #tpu.memory_space<vmem>>) target_semaphore(%arg13 : memref<!tpu.dma_semaphore, #tpu.memory_space<semaphore_mem>>)
    %mul3A_6 = arith.constant 100 : i32
    %mul3A_7 = arith.muli %add3A, %mul3A_6 : i32
    %dma_start3A_8 = arith.constant 0 : i32
    %dma_start3A_9 = tpu.memref_slice %arg4[%mul3A_7, %dma_start3A_8] : memref<3200x100xi32, #tpu.memory_space<hbm>> -> memref<100x100xi32, #tpu.memory_space<hbm>>
    %dma_start3A_10 = arith.constant 0 : i32
    %dma_start3A_11 = tpu.memref_slice %arg4[%mul3A_7, %dma_start3A_10] : memref<3200x100xi32, #tpu.memory_space<hbm>> -> memref<100x100xi32, #tpu.memory_space<hbm>>
    tpu.enqueue_dma source(%dma_start3A_11 : memref<100x100xi32, #tpu.memory_space<hbm>>) target(%arg8 : memref<100x100xi32, #tpu.memory_space<vmem>>) target_semaphore(%arg13 : memref<!tpu.dma_semaphore, #tpu.memory_space<semaphore_mem>>)
    %scan3A = arith.constant 0 : i32
    %scan3A_12 = arith.constant 0 : i32
    %scan3A_13 = arith.constant 100 : i32
    %scan3A_14 = arith.addi %scan3A_12, %scan3A_13 : i32
    %scan3A_15 = arith.constant 1 : i32
    scf.for %scan3A_92 = %scan3A_12 to %scan3A_14 step %scan3A_15  : i32 {
      %scan3A_93 = arith.constant 0 : i32
      %scan3A_94 = arith.constant 8 : i32
      %scan3A_95 = arith.addi %scan3A_93, %scan3A_94 : i32
      %scan3A_96 = arith.constant 1 : i32
      scf.for %scan3A_98 = %scan3A_93 to %scan3A_95 step %scan3A_96  : i32 {
        %broadcast_in_dim3A = arith.constant 0.000000e+00 : f32
        %broadcast_in_dim3A_99 = vector.broadcast %broadcast_in_dim3A : f32 to vector<16xf32>
        %mul3A_100 = arith.constant 16 : i32
        %mul3A_101 = arith.muli %scan3A_98, %mul3A_100 : i32
        %swap3A = arith.index_cast %scan3A_92 : i32 to index
        %swap3A_102 = arith.index_cast %mul3A_101 : i32 to index
        %swap3A_103 = tpu.vector_load %arg9[%swap3A, %swap3A_102] {strides = array<i32>} : memref<100x128xf32, #tpu.memory_space<vmem>>, vector<16xf32>,
        tpu.vector_store %arg9[%swap3A, %swap3A_102], %broadcast_in_dim3A_99 {strides = array<i32>} : memref<100x128xf32, #tpu.memory_space<vmem>>, vector<16xf32>,
      }
      %scan3A_97 = arith.constant 8 : i32
    }
    %scan3A_16 = arith.constant 100 : i32
    %mul3A_17 = arith.constant 625 : i32
    %mul3A_18 = arith.muli %arg1, %mul3A_17 : i32
    %add3A_19 = arith.constant 0 : i32
    %add3A_20 = arith.addi %mul3A_18, %add3A_19 : i32
    "tpu.region"() ({
      %run_scoped3A_92 = tpu.sem_alloc : memref<!tpu.dma_semaphore, #tpu.memory_space<semaphore_mem>>
      %dma_start3A_93 = arith.constant 0 : i32
      %dma_start3A_94 = tpu.memref_slice %arg6[%add3A_20, %dma_start3A_93] : memref<10000x128xf32, #tpu.memory_space<vmem_shared>> -> memref<100x128xf32, #tpu.memory_space<vmem_shared>>
      %dma_start3A_95 = arith.constant 0 : i32
      %dma_start3A_96 = tpu.memref_slice %arg6[%add3A_20, %dma_start3A_95] : memref<10000x128xf32, #tpu.memory_space<vmem_shared>> -> memref<100x128xf32, #tpu.memory_space<vmem_shared>>
      tpu.enqueue_dma source(%arg9 : memref<100x128xf32, #tpu.memory_space<vmem>>) target(%dma_start3A_96 : memref<100x128xf32, #tpu.memory_space<vmem_shared>>) target_semaphore(%run_scoped3A_92 : memref<!tpu.dma_semaphore, #tpu.memory_space<semaphore_mem>>)
      %dma_wait3A_97 = arith.constant 0 : i32
      %dma_wait3A_98 = tpu.memref_slice %arg6[%add3A_20, %dma_wait3A_97] : memref<10000x128xf32, #tpu.memory_space<vmem_shared>> -> memref<100x128xf32, #tpu.memory_space<vmem_shared>>
      %dma_wait3A_99 = arith.constant 0 : i32
      %dma_wait3A_100 = tpu.memref_slice %arg6[%add3A_20, %dma_wait3A_99] : memref<10000x128xf32, #tpu.memory_space<vmem_shared>> -> memref<100x128xf32, #tpu.memory_space<vmem_shared>>
      tpu.wait_dma2 semaphore(%run_scoped3A_92 : memref<!tpu.dma_semaphore, #tpu.memory_space<semaphore_mem>>) src(%arg9 : memref<100x128xf32, #tpu.memory_space<vmem>>) dst(%dma_wait3A_100 : memref<100x128xf32, #tpu.memory_space<vmem_shared>>)
      tpu.yield
    }) : () -> ()
    %mul3A_21 = arith.constant 625 : i32
    %mul3A_22 = arith.muli %arg1, %mul3A_21 : i32
    %add3A_23 = arith.constant 100 : i32
    %add3A_24 = arith.addi %mul3A_22, %add3A_23 : i32
    "tpu.region"() ({
      %run_scoped3A_92 = tpu.sem_alloc : memref<!tpu.dma_semaphore, #tpu.memory_space<semaphore_mem>>
      %dma_start3A_93 = arith.constant 0 : i32
      %dma_start3A_94 = tpu.memref_slice %arg6[%add3A_24, %dma_start3A_93] : memref<10000x128xf32, #tpu.memory_space<vmem_shared>> -> memref<100x128xf32, #tpu.memory_space<vmem_shared>>
      %dma_start3A_95 = arith.constant 0 : i32
      %dma_start3A_96 = tpu.memref_slice %arg6[%add3A_24, %dma_start3A_95] : memref<10000x128xf32, #tpu.memory_space<vmem_shared>> -> memref<100x128xf32, #tpu.memory_space<vmem_shared>>
      tpu.enqueue_dma source(%arg9 : memref<100x128xf32, #tpu.memory_space<vmem>>) target(%dma_start3A_96 : memref<100x128xf32, #tpu.memory_space<vmem_shared>>) target_semaphore(%run_scoped3A_92 : memref<!tpu.dma_semaphore, #tpu.memory_space<semaphore_mem>>)
      %dma_wait3A_97 = arith.constant 0 : i32
      %dma_wait3A_98 = tpu.memref_slice %arg6[%add3A_24, %dma_wait3A_97] : memref<10000x128xf32, #tpu.memory_space<vmem_shared>> -> memref<100x128xf32, #tpu.memory_space<vmem_shared>>
      %dma_wait3A_99 = arith.constant 0 : i32
      %dma_wait3A_100 = tpu.memref_slice %arg6[%add3A_24, %dma_wait3A_99] : memref<10000x128xf32, #tpu.memory_space<vmem_shared>> -> memref<100x128xf32, #tpu.memory_space<vmem_shared>>
      tpu.wait_dma2 semaphore(%run_scoped3A_92 : memref<!tpu.dma_semaphore, #tpu.memory_space<semaphore_mem>>) src(%arg9 : memref<100x128xf32, #tpu.memory_space<vmem>>) dst(%dma_wait3A_100 : memref<100x128xf32, #tpu.memory_space<vmem_shared>>)
      tpu.yield
    }) : () -> ()
    %mul3A_25 = arith.constant 625 : i32
    %mul3A_26 = arith.muli %arg1, %mul3A_25 : i32
    %add3A_27 = arith.constant 200 : i32
    %add3A_28 = arith.addi %mul3A_26, %add3A_27 : i32
    "tpu.region"() ({
      %run_scoped3A_92 = tpu.sem_alloc : memref<!tpu.dma_semaphore, #tpu.memory_space<semaphore_mem>>
      %dma_start3A_93 = arith.constant 0 : i32
      %dma_start3A_94 = tpu.memref_slice %arg6[%add3A_28, %dma_start3A_93] : memref<10000x128xf32, #tpu.memory_space<vmem_shared>> -> memref<100x128xf32, #tpu.memory_space<vmem_shared>>
      %dma_start3A_95 = arith.constant 0 : i32
      %dma_start3A_96 = tpu.memref_slice %arg6[%add3A_28, %dma_start3A_95] : memref<10000x128xf32, #tpu.memory_space<vmem_shared>> -> memref<100x128xf32, #tpu.memory_space<vmem_shared>>
      tpu.enqueue_dma source(%arg9 : memref<100x128xf32, #tpu.memory_space<vmem>>) target(%dma_start3A_96 : memref<100x128xf32, #tpu.memory_space<vmem_shared>>) target_semaphore(%run_scoped3A_92 : memref<!tpu.dma_semaphore, #tpu.memory_space<semaphore_mem>>)
      %dma_wait3A_97 = arith.constant 0 : i32
      %dma_wait3A_98 = tpu.memref_slice %arg6[%add3A_28, %dma_wait3A_97] : memref<10000x128xf32, #tpu.memory_space<vmem_shared>> -> memref<100x128xf32, #tpu.memory_space<vmem_shared>>
      %dma_wait3A_99 = arith.constant 0 : i32
      %dma_wait3A_100 = tpu.memref_slice %arg6[%add3A_28, %dma_wait3A_99] : memref<10000x128xf32, #tpu.memory_space<vmem_shared>> -> memref<100x128xf32, #tpu.memory_space<vmem_shared>>
      tpu.wait_dma2 semaphore(%run_scoped3A_92 : memref<!tpu.dma_semaphore, #tpu.memory_space<semaphore_mem>>) src(%arg9 : memref<100x128xf32, #tpu.memory_space<vmem>>) dst(%dma_wait3A_100 : memref<100x128xf32, #tpu.memory_space<vmem_shared>>)
      tpu.yield
    }) : () -> ()
    %mul3A_29 = arith.constant 625 : i32
    %mul3A_30 = arith.muli %arg1, %mul3A_29 : i32
    %add3A_31 = arith.constant 300 : i32
    %add3A_32 = arith.addi %mul3A_30, %add3A_31 : i32
    "tpu.region"() ({
      %run_scoped3A_92 = tpu.sem_alloc : memref<!tpu.dma_semaphore, #tpu.memory_space<semaphore_mem>>
      %dma_start3A_93 = arith.constant 0 : i32
      %dma_start3A_94 = tpu.memref_slice %arg6[%add3A_32, %dma_start3A_93] : memref<10000x128xf32, #tpu.memory_space<vmem_shared>> -> memref<100x128xf32, #tpu.memory_space<vmem_shared>>
      %dma_start3A_95 = arith.constant 0 : i32
      %dma_start3A_96 = tpu.memref_slice %arg6[%add3A_32, %dma_start3A_95] : memref<10000x128xf32, #tpu.memory_space<vmem_shared>> -> memref<100x128xf32, #tpu.memory_space<vmem_shared>>
      tpu.enqueue_dma source(%arg9 : memref<100x128xf32, #tpu.memory_space<vmem>>) target(%dma_start3A_96 : memref<100x128xf32, #tpu.memory_space<vmem_shared>>) target_semaphore(%run_scoped3A_92 : memref<!tpu.dma_semaphore, #tpu.memory_space<semaphore_mem>>)
      %dma_wait3A_97 = arith.constant 0 : i32
      %dma_wait3A_98 = tpu.memref_slice %arg6[%add3A_32, %dma_wait3A_97] : memref<10000x128xf32, #tpu.memory_space<vmem_shared>> -> memref<100x128xf32, #tpu.memory_space<vmem_shared>>
      %dma_wait3A_99 = arith.constant 0 : i32
      %dma_wait3A_100 = tpu.memref_slice %arg6[%add3A_32, %dma_wait3A_99] : memref<10000x128xf32, #tpu.memory_space<vmem_shared>> -> memref<100x128xf32, #tpu.memory_space<vmem_shared>>
      tpu.wait_dma2 semaphore(%run_scoped3A_92 : memref<!tpu.dma_semaphore, #tpu.memory_space<semaphore_mem>>) src(%arg9 : memref<100x128xf32, #tpu.memory_space<vmem>>) dst(%dma_wait3A_100 : memref<100x128xf32, #tpu.memory_space<vmem_shared>>)
      tpu.yield
    }) : () -> ()
    %mul3A_33 = arith.constant 625 : i32
    %mul3A_34 = arith.muli %arg1, %mul3A_33 : i32
    %add3A_35 = arith.constant 400 : i32
    %add3A_36 = arith.addi %mul3A_34, %add3A_35 : i32
    "tpu.region"() ({
      %run_scoped3A_92 = tpu.sem_alloc : memref<!tpu.dma_semaphore, #tpu.memory_space<semaphore_mem>>
      %dma_start3A_93 = arith.constant 0 : i32
      %dma_start3A_94 = tpu.memref_slice %arg6[%add3A_36, %dma_start3A_93] : memref<10000x128xf32, #tpu.memory_space<vmem_shared>> -> memref<100x128xf32, #tpu.memory_space<vmem_shared>>
      %dma_start3A_95 = arith.constant 0 : i32
      %dma_start3A_96 = tpu.memref_slice %arg6[%add3A_36, %dma_start3A_95] : memref<10000x128xf32, #tpu.memory_space<vmem_shared>> -> memref<100x128xf32, #tpu.memory_space<vmem_shared>>
      tpu.enqueue_dma source(%arg9 : memref<100x128xf32, #tpu.memory_space<vmem>>) target(%dma_start3A_96 : memref<100x128xf32, #tpu.memory_space<vmem_shared>>) target_semaphore(%run_scoped3A_92 : memref<!tpu.dma_semaphore, #tpu.memory_space<semaphore_mem>>)
      %dma_wait3A_97 = arith.constant 0 : i32
      %dma_wait3A_98 = tpu.memref_slice %arg6[%add3A_36, %dma_wait3A_97] : memref<10000x128xf32, #tpu.memory_space<vmem_shared>> -> memref<100x128xf32, #tpu.memory_space<vmem_shared>>
      %dma_wait3A_99 = arith.constant 0 : i32
      %dma_wait3A_100 = tpu.memref_slice %arg6[%add3A_36, %dma_wait3A_99] : memref<10000x128xf32, #tpu.memory_space<vmem_shared>> -> memref<100x128xf32, #tpu.memory_space<vmem_shared>>
      tpu.wait_dma2 semaphore(%run_scoped3A_92 : memref<!tpu.dma_semaphore, #tpu.memory_space<semaphore_mem>>) src(%arg9 : memref<100x128xf32, #tpu.memory_space<vmem>>) dst(%dma_wait3A_100 : memref<100x128xf32, #tpu.memory_space<vmem_shared>>)
      tpu.yield
    }) : () -> ()
    %mul3A_37 = arith.constant 625 : i32
    %mul3A_38 = arith.muli %arg1, %mul3A_37 : i32
    %add3A_39 = arith.constant 500 : i32
    %add3A_40 = arith.addi %mul3A_38, %add3A_39 : i32
    "tpu.region"() ({
      %run_scoped3A_92 = tpu.sem_alloc : memref<!tpu.dma_semaphore, #tpu.memory_space<semaphore_mem>>
      %dma_start3A_93 = arith.constant 0 : i32
      %dma_start3A_94 = tpu.memref_slice %arg6[%add3A_40, %dma_start3A_93] : memref<10000x128xf32, #tpu.memory_space<vmem_shared>> -> memref<100x128xf32, #tpu.memory_space<vmem_shared>>
      %dma_start3A_95 = arith.constant 0 : i32
      %dma_start3A_96 = tpu.memref_slice %arg6[%add3A_40, %dma_start3A_95] : memref<10000x128xf32, #tpu.memory_space<vmem_shared>> -> memref<100x128xf32, #tpu.memory_space<vmem_shared>>
      tpu.enqueue_dma source(%arg9 : memref<100x128xf32, #tpu.memory_space<vmem>>) target(%dma_start3A_96 : memref<100x128xf32, #tpu.memory_space<vmem_shared>>) target_semaphore(%run_scoped3A_92 : memref<!tpu.dma_semaphore, #tpu.memory_space<semaphore_mem>>)
      %dma_wait3A_97 = arith.constant 0 : i32
      %dma_wait3A_98 = tpu.memref_slice %arg6[%add3A_40, %dma_wait3A_97] : memref<10000x128xf32, #tpu.memory_space<vmem_shared>> -> memref<100x128xf32, #tpu.memory_space<vmem_shared>>
      %dma_wait3A_99 = arith.constant 0 : i32
      %dma_wait3A_100 = tpu.memref_slice %arg6[%add3A_40, %dma_wait3A_99] : memref<10000x128xf32, #tpu.memory_space<vmem_shared>> -> memref<100x128xf32, #tpu.memory_space<vmem_shared>>
      tpu.wait_dma2 semaphore(%run_scoped3A_92 : memref<!tpu.dma_semaphore, #tpu.memory_space<semaphore_mem>>) src(%arg9 : memref<100x128xf32, #tpu.memory_space<vmem>>) dst(%dma_wait3A_100 : memref<100x128xf32, #tpu.memory_space<vmem_shared>>)
      tpu.yield
    }) : () -> ()
    %mul3A_41 = arith.constant 625 : i32
    %mul3A_42 = arith.muli %arg1, %mul3A_41 : i32
    %add3A_43 = arith.constant 600 : i32
    %add3A_44 = arith.addi %mul3A_42, %add3A_43 : i32
    "tpu.region"() ({
      %run_scoped3A_92 = tpu.sem_alloc : memref<!tpu.dma_semaphore, #tpu.memory_space<semaphore_mem>>
      %dma_start3A_93 = arith.constant 0 : i32
      %dma_start3A_94 = arith.constant 0 : i32
      %dma_start3A_95 = tpu.memref_slice %arg9[%dma_start3A_93, %dma_start3A_94] : memref<100x128xf32, #tpu.memory_space<vmem>> -> memref<25x128xf32, #tpu.memory_space<vmem>>
      %dma_start3A_96 = arith.constant 0 : i32
      %dma_start3A_97 = tpu.memref_slice %arg6[%add3A_44, %dma_start3A_96] : memref<10000x128xf32, #tpu.memory_space<vmem_shared>> -> memref<25x128xf32, #tpu.memory_space<vmem_shared>>
      %dma_start3A_98 = arith.constant 0 : i32
      %dma_start3A_99 = tpu.memref_slice %arg6[%add3A_44, %dma_start3A_98] : memref<10000x128xf32, #tpu.memory_space<vmem_shared>> -> memref<25x128xf32, #tpu.memory_space<vmem_shared>>
      %dma_start3A_100 = arith.constant 0 : i32
      %dma_start3A_101 = arith.constant 0 : i32
      %dma_start3A_102 = tpu.memref_slice %arg9[%dma_start3A_100, %dma_start3A_101] : memref<100x128xf32, #tpu.memory_space<vmem>> -> memref<25x128xf32, #tpu.memory_space<vmem>>
      tpu.enqueue_dma source(%dma_start3A_102 : memref<25x128xf32, #tpu.memory_space<vmem>>) target(%dma_start3A_99 : memref<25x128xf32, #tpu.memory_space<vmem_shared>>) target_semaphore(%run_scoped3A_92 : memref<!tpu.dma_semaphore, #tpu.memory_space<semaphore_mem>>)
      %dma_wait3A_103 = arith.constant 0 : i32
      %dma_wait3A_104 = arith.constant 0 : i32
      %dma_wait3A_105 = tpu.memref_slice %arg9[%dma_wait3A_103, %dma_wait3A_104] : memref<100x128xf32, #tpu.memory_space<vmem>> -> memref<25x128xf32, #tpu.memory_space<vmem>>
      %dma_wait3A_106 = arith.constant 0 : i32
      %dma_wait3A_107 = tpu.memref_slice %arg6[%add3A_44, %dma_wait3A_106] : memref<10000x128xf32, #tpu.memory_space<vmem_shared>> -> memref<25x128xf32, #tpu.memory_space<vmem_shared>>
      %dma_wait3A_108 = arith.constant 0 : i32
      %dma_wait3A_109 = tpu.memref_slice %arg6[%add3A_44, %dma_wait3A_108] : memref<10000x128xf32, #tpu.memory_space<vmem_shared>> -> memref<25x128xf32, #tpu.memory_space<vmem_shared>>
      %dma_wait3A_110 = arith.constant 0 : i32
      %dma_wait3A_111 = arith.constant 0 : i32
      %dma_wait3A_112 = tpu.memref_slice %arg9[%dma_wait3A_110, %dma_wait3A_111] : memref<100x128xf32, #tpu.memory_space<vmem>> -> memref<25x128xf32, #tpu.memory_space<vmem>>
      tpu.wait_dma2 semaphore(%run_scoped3A_92 : memref<!tpu.dma_semaphore, #tpu.memory_space<semaphore_mem>>) src(%dma_wait3A_112 : memref<25x128xf32, #tpu.memory_space<vmem>>) dst(%dma_wait3A_109 : memref<25x128xf32, #tpu.memory_space<vmem_shared>>)
      tpu.yield
    }) : () -> ()
    %dma_wait3A = arith.constant 0 : i32
    %dma_wait3A_45 = tpu.memref_slice %arg3[%mul3A_2, %dma_wait3A] : memref<3200x100xi32, #tpu.memory_space<hbm>> -> memref<100x100xi32, #tpu.memory_space<hbm>>
    %dma_wait3A_46 = arith.constant 0 : i32
    %dma_wait3A_47 = tpu.memref_slice %arg3[%mul3A_2, %dma_wait3A_46] : memref<3200x100xi32, #tpu.memory_space<hbm>> -> memref<100x100xi32, #tpu.memory_space<hbm>>
    tpu.wait_dma2 semaphore(%arg13 : memref<!tpu.dma_semaphore, #tpu.memory_space<semaphore_mem>>) src(%dma_wait3A_47 : memref<100x100xi32, #tpu.memory_space<hbm>>) dst(%arg7 : memref<100x100xi32, #tpu.memory_space<vmem>>)
    %dma_wait3A_48 = arith.constant 0 : i32
    %dma_wait3A_49 = tpu.memref_slice %arg4[%mul3A_7, %dma_wait3A_48] : memref<3200x100xi32, #tpu.memory_space<hbm>> -> memref<100x100xi32, #tpu.memory_space<hbm>>
    %dma_wait3A_50 = arith.constant 0 : i32
    %dma_wait3A_51 = tpu.memref_slice %arg4[%mul3A_7, %dma_wait3A_50] : memref<3200x100xi32, #tpu.memory_space<hbm>> -> memref<100x100xi32, #tpu.memory_space<hbm>>
    tpu.wait_dma2 semaphore(%arg13 : memref<!tpu.dma_semaphore, #tpu.memory_space<semaphore_mem>>) src(%dma_wait3A_51 : memref<100x100xi32, #tpu.memory_space<hbm>>) dst(%arg8 : memref<100x100xi32, #tpu.memory_space<vmem>>)
    %barrier3A = arith.constant 0 : index
    tpu.barrier barrier_id(%barrier3A)
    %dma_start3A_52 = arith.constant 0 : i32
    %dma_start3A_53 = arith.constant 0 : i32
    %dma_start3A_54 = tpu.memref_slice %arg7[%dma_start3A_52, %dma_start3A_53] : memref<100x100xi32, #tpu.memory_space<vmem>> -> memref<1x100xi32, #tpu.memory_space<vmem>>
    %dma_start3A_55 = tpu.memref_squeeze %dma_start3A_54 : memref<1x100xi32, #tpu.memory_space<vmem>> -> memref<100xi32, #tpu.memory_space<vmem>>
    %dma_start3A_56 = arith.constant 0 : i32
    %dma_start3A_57 = arith.constant 0 : i32
    %dma_start3A_58 = tpu.memref_slice %arg2[%dma_start3A_56, %dma_start3A_57] : memref<10000x128xf32, #tpu.memory_space<hbm>> -> memref<10000x128xf32, #tpu.memory_space<hbm>>
    tpu.enqueue_indirect_dma source(%dma_start3A_58 : memref<10000x128xf32, #tpu.memory_space<hbm>>) target(%arg9 : memref<100x128xf32, #tpu.memory_space<vmem>>) offsets(%dma_start3A_55 : memref<100xi32, #tpu.memory_space<vmem>>) semaphore(%arg11 : memref<!tpu.dma_semaphore, #tpu.memory_space<semaphore_mem>>)
    %scan3A_59 = arith.constant 0 : i32
    %scan3A_60 = arith.constant 0 : i32
    %scan3A_61 = arith.constant 49 : i32
    %scan3A_62 = arith.addi %scan3A_60, %scan3A_61 : i32
    %scan3A_63 = arith.constant 1 : i32
    scf.for %scan3A_92 = %scan3A_60 to %scan3A_62 step %scan3A_63  : i32 {
      %mul3A_93 = arith.constant 2 : i32
      %mul3A_94 = arith.muli %mul3A_93, %scan3A_92 : i32
      %add3A_95 = arith.constant 1 : i32
      %add3A_96 = arith.addi %mul3A_94, %add3A_95 : i32
      %add3A_97 = arith.constant 2 : i32
      %add3A_98 = arith.addi %mul3A_94, %add3A_97 : i32
      %dma_start3A_99 = arith.constant 0 : i32
      %dma_start3A_100 = tpu.memref_slice %arg7[%add3A_96, %dma_start3A_99] : memref<100x100xi32, #tpu.memory_space<vmem>> -> memref<1x100xi32, #tpu.memory_space<vmem>>
      %dma_start3A_101 = tpu.memref_squeeze %dma_start3A_100 : memref<1x100xi32, #tpu.memory_space<vmem>> -> memref<100xi32, #tpu.memory_space<vmem>>
      %dma_start3A_102 = arith.constant 0 : i32
      %dma_start3A_103 = arith.constant 0 : i32
      %dma_start3A_104 = tpu.memref_slice %arg2[%dma_start3A_102, %dma_start3A_103] : memref<10000x128xf32, #tpu.memory_space<hbm>> -> memref<10000x128xf32, #tpu.memory_space<hbm>>
      tpu.enqueue_indirect_dma source(%dma_start3A_104 : memref<10000x128xf32, #tpu.memory_space<hbm>>) target(%arg10 : memref<100x128xf32, #tpu.memory_space<vmem>>) offsets(%dma_start3A_101 : memref<100xi32, #tpu.memory_space<vmem>>) semaphore(%arg12 : memref<!tpu.dma_semaphore, #tpu.memory_space<semaphore_mem>>)
      %dma_wait3A_105 = arith.constant 0 : i32
      %dma_wait3A_106 = tpu.memref_slice %arg7[%mul3A_94, %dma_wait3A_105] : memref<100x100xi32, #tpu.memory_space<vmem>> -> memref<1x100xi32, #tpu.memory_space<vmem>>
      %dma_wait3A_107 = tpu.memref_squeeze %dma_wait3A_106 : memref<1x100xi32, #tpu.memory_space<vmem>> -> memref<100xi32, #tpu.memory_space<vmem>>
      %dma_wait3A_108 = arith.constant 0 : i32
      %dma_wait3A_109 = arith.constant 0 : i32
      %dma_wait3A_110 = tpu.memref_slice %arg2[%dma_wait3A_108, %dma_wait3A_109] : memref<10000x128xf32, #tpu.memory_space<hbm>> -> memref<10000x128xf32, #tpu.memory_space<hbm>>
      tpu.wait_indirect_dma semaphore(%arg11 : memref<!tpu.dma_semaphore, #tpu.memory_space<semaphore_mem>>) src(%dma_wait3A_110 : memref<10000x128xf32, #tpu.memory_space<hbm>>) dst(%arg9 : memref<100x128xf32, #tpu.memory_space<vmem>>)
      "tpu.region"() ({
        %run_scoped3A_123 = tpu.sem_alloc : memref<!tpu.dma_semaphore, #tpu.memory_space<semaphore_mem>>
        %dma_start3A_124 = arith.constant 0 : i32
        %dma_start3A_125 = tpu.memref_slice %arg8[%mul3A_94, %dma_start3A_124] : memref<100x100xi32, #tpu.memory_space<vmem>> -> memref<1x100xi32, #tpu.memory_space<vmem>>
        %dma_start3A_126 = tpu.memref_squeeze %dma_start3A_125 : memref<1x100xi32, #tpu.memory_space<vmem>> -> memref<100xi32, #tpu.memory_space<vmem>>
        %dma_start3A_127 = arith.constant 0 : i32
        %dma_start3A_128 = arith.constant 0 : i32
        %dma_start3A_129 = tpu.memref_slice %arg6[%dma_start3A_127, %dma_start3A_128] : memref<10000x128xf32, #tpu.memory_space<vmem_shared>> -> memref<10000x128xf32, #tpu.memory_space<vmem_shared>>
        tpu.enqueue_indirect_dma source(%arg9 : memref<100x128xf32, #tpu.memory_space<vmem>>) target(%dma_start3A_129 : memref<10000x128xf32, #tpu.memory_space<vmem_shared>>) offsets(%dma_start3A_126 : memref<100xi32, #tpu.memory_space<vmem>>) semaphore(%run_scoped3A_123 : memref<!tpu.dma_semaphore, #tpu.memory_space<semaphore_mem>>) {add = true}
        %dma_wait3A_130 = arith.constant 0 : i32
        %dma_wait3A_131 = tpu.memref_slice %arg8[%mul3A_94, %dma_wait3A_130] : memref<100x100xi32, #tpu.memory_space<vmem>> -> memref<1x100xi32, #tpu.memory_space<vmem>>
        %dma_wait3A_132 = tpu.memref_squeeze %dma_wait3A_131 : memref<1x100xi32, #tpu.memory_space<vmem>> -> memref<100xi32, #tpu.memory_space<vmem>>
        %dma_wait3A_133 = arith.constant 0 : i32
        %dma_wait3A_134 = arith.constant 0 : i32
        %dma_wait3A_135 = tpu.memref_slice %arg6[%dma_wait3A_133, %dma_wait3A_134] : memref<10000x128xf32, #tpu.memory_space<vmem_shared>> -> memref<10000x128xf32, #tpu.memory_space<vmem_shared>>
        tpu.wait_indirect_dma semaphore(%run_scoped3A_123 : memref<!tpu.dma_semaphore, #tpu.memory_space<semaphore_mem>>) src(%arg9 : memref<100x128xf32, #tpu.memory_space<vmem>>) dst(%dma_wait3A_135 : memref<10000x128xf32, #tpu.memory_space<vmem_shared>>)
        tpu.yield
      }) : () -> ()
      %dma_start3A_111 = arith.constant 0 : i32
      %dma_start3A_112 = tpu.memref_slice %arg7[%add3A_98, %dma_start3A_111] : memref<100x100xi32, #tpu.memory_space<vmem>> -> memref<1x100xi32, #tpu.memory_space<vmem>>
      %dma_start3A_113 = tpu.memref_squeeze %dma_start3A_112 : memref<1x100xi32, #tpu.memory_space<vmem>> -> memref<100xi32, #tpu.memory_space<vmem>>
      %dma_start3A_114 = arith.constant 0 : i32
      %dma_start3A_115 = arith.constant 0 : i32
      %dma_start3A_116 = tpu.memref_slice %arg2[%dma_start3A_114, %dma_start3A_115] : memref<10000x128xf32, #tpu.memory_space<hbm>> -> memref<10000x128xf32, #tpu.memory_space<hbm>>
      tpu.enqueue_indirect_dma source(%dma_start3A_116 : memref<10000x128xf32, #tpu.memory_space<hbm>>) target(%arg9 : memref<100x128xf32, #tpu.memory_space<vmem>>) offsets(%dma_start3A_113 : memref<100xi32, #tpu.memory_space<vmem>>) semaphore(%arg11 : memref<!tpu.dma_semaphore, #tpu.memory_space<semaphore_mem>>)
      %dma_wait3A_117 = arith.constant 0 : i32
      %dma_wait3A_118 = tpu.memref_slice %arg7[%add3A_96, %dma_wait3A_117] : memref<100x100xi32, #tpu.memory_space<vmem>> -> memref<1x100xi32, #tpu.memory_space<vmem>>
      %dma_wait3A_119 = tpu.memref_squeeze %dma_wait3A_118 : memref<1x100xi32, #tpu.memory_space<vmem>> -> memref<100xi32, #tpu.memory_space<vmem>>
      %dma_wait3A_120 = arith.constant 0 : i32
      %dma_wait3A_121 = arith.constant 0 : i32
      %dma_wait3A_122 = tpu.memref_slice %arg2[%dma_wait3A_120, %dma_wait3A_121] : memref<10000x128xf32, #tpu.memory_space<hbm>> -> memref<10000x128xf32, #tpu.memory_space<hbm>>
      tpu.wait_indirect_dma semaphore(%arg12 : memref<!tpu.dma_semaphore, #tpu.memory_space<semaphore_mem>>) src(%dma_wait3A_122 : memref<10000x128xf32, #tpu.memory_space<hbm>>) dst(%arg10 : memref<100x128xf32, #tpu.memory_space<vmem>>)
      "tpu.region"() ({
        %run_scoped3A_123 = tpu.sem_alloc : memref<!tpu.dma_semaphore, #tpu.memory_space<semaphore_mem>>
        %dma_start3A_124 = arith.constant 0 : i32
        %dma_start3A_125 = tpu.memref_slice %arg8[%add3A_96, %dma_start3A_124] : memref<100x100xi32, #tpu.memory_space<vmem>> -> memref<1x100xi32, #tpu.memory_space<vmem>>
        %dma_start3A_126 = tpu.memref_squeeze %dma_start3A_125 : memref<1x100xi32, #tpu.memory_space<vmem>> -> memref<100xi32, #tpu.memory_space<vmem>>
        %dma_start3A_127 = arith.constant 0 : i32
        %dma_start3A_128 = arith.constant 0 : i32
        %dma_start3A_129 = tpu.memref_slice %arg6[%dma_start3A_127, %dma_start3A_128] : memref<10000x128xf32, #tpu.memory_space<vmem_shared>> -> memref<10000x128xf32, #tpu.memory_space<vmem_shared>>
        tpu.enqueue_indirect_dma source(%arg10 : memref<100x128xf32, #tpu.memory_space<vmem>>) target(%dma_start3A_129 : memref<10000x128xf32, #tpu.memory_space<vmem_shared>>) offsets(%dma_start3A_126 : memref<100xi32, #tpu.memory_space<vmem>>) semaphore(%run_scoped3A_123 : memref<!tpu.dma_semaphore, #tpu.memory_space<semaphore_mem>>) {add = true}
        %dma_wait3A_130 = arith.constant 0 : i32
        %dma_wait3A_131 = tpu.memref_slice %arg8[%add3A_96, %dma_wait3A_130] : memref<100x100xi32, #tpu.memory_space<vmem>> -> memref<1x100xi32, #tpu.memory_space<vmem>>
        %dma_wait3A_132 = tpu.memref_squeeze %dma_wait3A_131 : memref<1x100xi32, #tpu.memory_space<vmem>> -> memref<100xi32, #tpu.memory_space<vmem>>
        %dma_wait3A_133 = arith.constant 0 : i32
        %dma_wait3A_134 = arith.constant 0 : i32
        %dma_wait3A_135 = tpu.memref_slice %arg6[%dma_wait3A_133, %dma_wait3A_134] : memref<10000x128xf32, #tpu.memory_space<vmem_shared>> -> memref<10000x128xf32, #tpu.memory_space<vmem_shared>>
        tpu.wait_indirect_dma semaphore(%run_scoped3A_123 : memref<!tpu.dma_semaphore, #tpu.memory_space<semaphore_mem>>) src(%arg10 : memref<100x128xf32, #tpu.memory_space<vmem>>) dst(%dma_wait3A_135 : memref<10000x128xf32, #tpu.memory_space<vmem_shared>>)
        tpu.yield
      }) : () -> ()
    }
    %scan3A_64 = arith.constant 49 : i32
    %dma_start3A_65 = arith.constant 99 : i32
    %dma_start3A_66 = arith.constant 0 : i32
    %dma_start3A_67 = tpu.memref_slice %arg7[%dma_start3A_65, %dma_start3A_66] : memref<100x100xi32, #tpu.memory_space<vmem>> -> memref<1x100xi32, #tpu.memory_space<vmem>>
    %dma_start3A_68 = tpu.memref_squeeze %dma_start3A_67 : memref<1x100xi32, #tpu.memory_space<vmem>> -> memref<100xi32, #tpu.memory_space<vmem>>
    %dma_start3A_69 = arith.constant 0 : i32
    %dma_start3A_70 = arith.constant 0 : i32
    %dma_start3A_71 = tpu.memref_slice %arg2[%dma_start3A_69, %dma_start3A_70] : memref<10000x128xf32, #tpu.memory_space<hbm>> -> memref<10000x128xf32, #tpu.memory_space<hbm>>
    tpu.enqueue_indirect_dma source(%dma_start3A_71 : memref<10000x128xf32, #tpu.memory_space<hbm>>) target(%arg10 : memref<100x128xf32, #tpu.memory_space<vmem>>) offsets(%dma_start3A_68 : memref<100xi32, #tpu.memory_space<vmem>>) semaphore(%arg12 : memref<!tpu.dma_semaphore, #tpu.memory_space<semaphore_mem>>)
    %dma_wait3A_72 = arith.constant 98 : i32
    %dma_wait3A_73 = arith.constant 0 : i32
    %dma_wait3A_74 = tpu.memref_slice %arg7[%dma_wait3A_72, %dma_wait3A_73] : memref<100x100xi32, #tpu.memory_space<vmem>> -> memref<1x100xi32, #tpu.memory_space<vmem>>
    %dma_wait3A_75 = tpu.memref_squeeze %dma_wait3A_74 : memref<1x100xi32, #tpu.memory_space<vmem>> -> memref<100xi32, #tpu.memory_space<vmem>>
    %dma_wait3A_76 = arith.constant 0 : i32
    %dma_wait3A_77 = arith.constant 0 : i32
    %dma_wait3A_78 = tpu.memref_slice %arg2[%dma_wait3A_76, %dma_wait3A_77] : memref<10000x128xf32, #tpu.memory_space<hbm>> -> memref<10000x128xf32, #tpu.memory_space<hbm>>
    tpu.wait_indirect_dma semaphore(%arg11 : memref<!tpu.dma_semaphore, #tpu.memory_space<semaphore_mem>>) src(%dma_wait3A_78 : memref<10000x128xf32, #tpu.memory_space<hbm>>) dst(%arg9 : memref<100x128xf32, #tpu.memory_space<vmem>>)
    %run_scoped3A = arith.constant 98 : i32
    "tpu.region"() ({
      %run_scoped3A_92 = tpu.sem_alloc : memref<!tpu.dma_semaphore, #tpu.memory_space<semaphore_mem>>
      %dma_start3A_93 = arith.constant 0 : i32
      %dma_start3A_94 = tpu.memref_slice %arg8[%run_scoped3A, %dma_start3A_93] : memref<100x100xi32, #tpu.memory_space<vmem>> -> memref<1x100xi32, #tpu.memory_space<vmem>>
      %dma_start3A_95 = tpu.memref_squeeze %dma_start3A_94 : memref<1x100xi32, #tpu.memory_space<vmem>> -> memref<100xi32, #tpu.memory_space<vmem>>
      %dma_start3A_96 = arith.constant 0 : i32
      %dma_start3A_97 = arith.constant 0 : i32
      %dma_start3A_98 = tpu.memref_slice %arg6[%dma_start3A_96, %dma_start3A_97] : memref<10000x128xf32, #tpu.memory_space<vmem_shared>> -> memref<10000x128xf32, #tpu.memory_space<vmem_shared>>
      tpu.enqueue_indirect_dma source(%arg9 : memref<100x128xf32, #tpu.memory_space<vmem>>) target(%dma_start3A_98 : memref<10000x128xf32, #tpu.memory_space<vmem_shared>>) offsets(%dma_start3A_95 : memref<100xi32, #tpu.memory_space<vmem>>) semaphore(%run_scoped3A_92 : memref<!tpu.dma_semaphore, #tpu.memory_space<semaphore_mem>>) {add = true}
      %dma_wait3A_99 = arith.constant 0 : i32
      %dma_wait3A_100 = tpu.memref_slice %arg8[%run_scoped3A, %dma_wait3A_99] : memref<100x100xi32, #tpu.memory_space<vmem>> -> memref<1x100xi32, #tpu.memory_space<vmem>>
      %dma_wait3A_101 = tpu.memref_squeeze %dma_wait3A_100 : memref<1x100xi32, #tpu.memory_space<vmem>> -> memref<100xi32, #tpu.memory_space<vmem>>
      %dma_wait3A_102 = arith.constant 0 : i32
      %dma_wait3A_103 = arith.constant 0 : i32
      %dma_wait3A_104 = tpu.memref_slice %arg6[%dma_wait3A_102, %dma_wait3A_103] : memref<10000x128xf32, #tpu.memory_space<vmem_shared>> -> memref<10000x128xf32, #tpu.memory_space<vmem_shared>>
      tpu.wait_indirect_dma semaphore(%run_scoped3A_92 : memref<!tpu.dma_semaphore, #tpu.memory_space<semaphore_mem>>) src(%arg9 : memref<100x128xf32, #tpu.memory_space<vmem>>) dst(%dma_wait3A_104 : memref<10000x128xf32, #tpu.memory_space<vmem_shared>>)
      tpu.yield
    }) : () -> ()
    %dma_wait3A_79 = arith.constant 99 : i32
    %dma_wait3A_80 = arith.constant 0 : i32
    %dma_wait3A_81 = tpu.memref_slice %arg7[%dma_wait3A_79, %dma_wait3A_80] : memref<100x100xi32, #tpu.memory_space<vmem>> -> memref<1x100xi32, #tpu.memory_space<vmem>>
    %dma_wait3A_82 = tpu.memref_squeeze %dma_wait3A_81 : memref<1x100xi32, #tpu.memory_space<vmem>> -> memref<100xi32, #tpu.memory_space<vmem>>
    %dma_wait3A_83 = arith.constant 0 : i32
    %dma_wait3A_84 = arith.constant 0 : i32
    %dma_wait3A_85 = tpu.memref_slice %arg2[%dma_wait3A_83, %dma_wait3A_84] : memref<10000x128xf32, #tpu.memory_space<hbm>> -> memref<10000x128xf32, #tpu.memory_space<hbm>>
    tpu.wait_indirect_dma semaphore(%arg12 : memref<!tpu.dma_semaphore, #tpu.memory_space<semaphore_mem>>) src(%dma_wait3A_85 : memref<10000x128xf32, #tpu.memory_space<hbm>>) dst(%arg10 : memref<100x128xf32, #tpu.memory_space<vmem>>)
    %run_scoped3A_86 = arith.constant 99 : i32
    "tpu.region"() ({
      %run_scoped3A_92 = tpu.sem_alloc : memref<!tpu.dma_semaphore, #tpu.memory_space<semaphore_mem>>
      %dma_start3A_93 = arith.constant 0 : i32
      %dma_start3A_94 = tpu.memref_slice %arg8[%run_scoped3A_86, %dma_start3A_93] : memref<100x100xi32, #tpu.memory_space<vmem>> -> memref<1x100xi32, #tpu.memory_space<vmem>>
      %dma_start3A_95 = tpu.memref_squeeze %dma_start3A_94 : memref<1x100xi32, #tpu.memory_space<vmem>> -> memref<100xi32, #tpu.memory_space<vmem>>
      %dma_start3A_96 = arith.constant 0 : i32
      %dma_start3A_97 = arith.constant 0 : i32
      %dma_start3A_98 = tpu.memref_slice %arg6[%dma_start3A_96, %dma_start3A_97] : memref<10000x128xf32, #tpu.memory_space<vmem_shared>> -> memref<10000x128xf32, #tpu.memory_space<vmem_shared>>
      tpu.enqueue_indirect_dma source(%arg10 : memref<100x128xf32, #tpu.memory_space<vmem>>) target(%dma_start3A_98 : memref<10000x128xf32, #tpu.memory_space<vmem_shared>>) offsets(%dma_start3A_95 : memref<100xi32, #tpu.memory_space<vmem>>) semaphore(%run_scoped3A_92 : memref<!tpu.dma_semaphore, #tpu.memory_space<semaphore_mem>>) {add = true}
      %dma_wait3A_99 = arith.constant 0 : i32
      %dma_wait3A_100 = tpu.memref_slice %arg8[%run_scoped3A_86, %dma_wait3A_99] : memref<100x100xi32, #tpu.memory_space<vmem>> -> memref<1x100xi32, #tpu.memory_space<vmem>>
      %dma_wait3A_101 = tpu.memref_squeeze %dma_wait3A_100 : memref<1x100xi32, #tpu.memory_space<vmem>> -> memref<100xi32, #tpu.memory_space<vmem>>
      %dma_wait3A_102 = arith.constant 0 : i32
      %dma_wait3A_103 = arith.constant 0 : i32
      %dma_wait3A_104 = tpu.memref_slice %arg6[%dma_wait3A_102, %dma_wait3A_103] : memref<10000x128xf32, #tpu.memory_space<vmem_shared>> -> memref<10000x128xf32, #tpu.memory_space<vmem_shared>>
      tpu.wait_indirect_dma semaphore(%run_scoped3A_92 : memref<!tpu.dma_semaphore, #tpu.memory_space<semaphore_mem>>) src(%arg10 : memref<100x128xf32, #tpu.memory_space<vmem>>) dst(%dma_wait3A_104 : memref<10000x128xf32, #tpu.memory_space<vmem_shared>>)
      tpu.yield
    }) : () -> ()
    %barrier3A_87 = arith.constant 0 : index
    tpu.barrier barrier_id(%barrier3A_87)
    %mul3A_88 = arith.constant 625 : i32
    %mul3A_89 = arith.muli %arg1, %mul3A_88 : i32
    %mul3A_90 = arith.constant 625 : i32
    %mul3A_91 = arith.muli %arg1, %mul3A_90 : i32
    "tpu.region"() ({
      %run_scoped3A_92 = tpu.sem_alloc : memref<!tpu.dma_semaphore, #tpu.memory_space<semaphore_mem>>
      %dma_start3A_93 = arith.constant 0 : i32
      %dma_start3A_94 = tpu.memref_slice %arg5[%arg0, %mul3A_91, %dma_start3A_93] : memref<2x10000x128xf32, #tpu.memory_space<hbm>> -> memref<1x625x128xf32, #tpu.memory_space<hbm>>
      %dma_start3A_95 = tpu.memref_squeeze %dma_start3A_94 : memref<1x625x128xf32, #tpu.memory_space<hbm>> -> memref<625x128xf32, #tpu.memory_space<hbm>>
      %dma_start3A_96 = arith.constant 0 : i32
      %dma_start3A_97 = tpu.memref_slice %arg6[%mul3A_89, %dma_start3A_96] : memref<10000x128xf32, #tpu.memory_space<vmem_shared>> -> memref<625x128xf32, #tpu.memory_space<vmem_shared>>
      tpu.enqueue_dma source(%dma_start3A_97 : memref<625x128xf32, #tpu.memory_space<vmem_shared>>) target(%dma_start3A_95 : memref<625x128xf32, #tpu.memory_space<hbm>>) target_semaphore(%run_scoped3A_92 : memref<!tpu.dma_semaphore, #tpu.memory_space<semaphore_mem>>)
      %dma_wait3A_98 = arith.constant 0 : i32
      %dma_wait3A_99 = tpu.memref_slice %arg5[%arg0, %mul3A_91, %dma_wait3A_98] : memref<2x10000x128xf32, #tpu.memory_space<hbm>> -> memref<1x625x128xf32, #tpu.memory_space<hbm>>
      %dma_wait3A_100 = tpu.memref_squeeze %dma_wait3A_99 : memref<1x625x128xf32, #tpu.memory_space<hbm>> -> memref<625x128xf32, #tpu.memory_space<hbm>>
      %dma_wait3A_101 = arith.constant 0 : i32
      %dma_wait3A_102 = tpu.memref_slice %arg6[%mul3A_89, %dma_wait3A_101] : memref<10000x128xf32, #tpu.memory_space<vmem_shared>> -> memref<625x128xf32, #tpu.memory_space<vmem_shared>>
      tpu.wait_dma2 semaphore(%run_scoped3A_92 : memref<!tpu.dma_semaphore, #tpu.memory_space<semaphore_mem>>) src(%dma_wait3A_102 : memref<625x128xf32, #tpu.memory_space<vmem_shared>>) dst(%dma_wait3A_100 : memref<625x128xf32, #tpu.memory_space<hbm>>)
      tpu.yield
    }) : () -> ()
    return
  }
}

#map = affine_map<(d0, d1) -> (0, 0)>
#map1 = affine_map<(d0, d1) -> (0, 0, 0)>
module attributes {stable_mosaic.version = 14 : i64} {
  func.func @_scatter_kernel(%arg0: i32, %arg1: i32, %arg2: memref<10000x128xf32, #tpu.memory_space<hbm>>, %arg3: memref<3200x100xi32, #tpu.memory_space<hbm>>, %arg4: memref<3200x100xi32, #tpu.memory_space<hbm>>, %arg5: memref<2x10000x128xf32, #tpu.memory_space<hbm>>, %arg6: memref<10000x128xf32, #tpu.memory_space<vmem_shared>>, %arg7: memref<100x100xi32, #tpu.memory_space<vmem>>, %arg8: memref<100x100xi32, #tpu.memory_space<vmem>>, %arg9: memref<100x128xf32, #tpu.memory_space<vmem>>, %arg10: memref<100x128xf32, #tpu.memory_space<vmem>>, %arg11: memref<!tpu.dma_semaphore, #tpu.memory_space<semaphore_mem>>, %arg12: memref<!tpu.dma_semaphore, #tpu.memory_space<semaphore_mem>>, %arg13: memref<!tpu.dma_semaphore, #tpu.memory_space<semaphore_mem>>) attributes {dimension_semantics = [#tpu.dimension_semantics<core_parallel>, #tpu.dimension_semantics<subcore_parallel>], iteration_bounds = array<i64: 2, 16>, scalar_prefetch = 0 : i64, scratch_operands = 8 : i64, tpu.core_type = #tpu.core_type<sc_vector_subcore>, window_params = [{transform_indices = #map}, {transform_indices = #map}, {transform_indices = #map}, {transform_indices = #map1}]} {
    %mul3A = arith.constant 16 : i32
    %mul3A_0 = arith.muli %arg0, %mul3A : i32
    %add3A = arith.addi %mul3A_0, %arg1 : i32
    %mul3A_1 = arith.constant 100 : i32
    %mul3A_2 = arith.muli %add3A, %mul3A_1 : i32
    %dma_start3A = arith.constant 0 : i32
    %dma_start3A_3 = tpu.memref_slice %arg3[%mul3A_2, %dma_start3A] : memref<3200x100xi32, #tpu.memory_space<hbm>> -> memref<100x100xi32, #tpu.memory_space<hbm>>
    %dma_start3A_4 = arith.constant 0 : i32
    %dma_start3A_5 = tpu.memref_slice %arg3[%mul3A_2, %dma_start3A_4] : memref<3200x100xi32, #tpu.memory_space<hbm>> -> memref<100x100xi32, #tpu.memory_space<hbm>>
    tpu.enqueue_dma source(%dma_start3A_5 : memref<100x100xi32, #tpu.memory_space<hbm>>) target(%arg7 : memref<100x100xi32, #tpu.memory_space<vmem>>) target_semaphore(%arg13 : memref<!tpu.dma_semaphore, #tpu.memory_space<semaphore_mem>>)
    %mul3A_6 = arith.constant 100 : i32
    %mul3A_7 = arith.muli %add3A, %mul3A_6 : i32
    %dma_start3A_8 = arith.constant 0 : i32
    %dma_start3A_9 = tpu.memref_slice %arg4[%mul3A_7, %dma_start3A_8] : memref<3200x100xi32, #tpu.memory_space<hbm>> -> memref<100x100xi32, #tpu.memory_space<hbm>>
    %dma_start3A_10 = arith.constant 0 : i32
    %dma_start3A_11 = tpu.memref_slice %arg4[%mul3A_7, %dma_start3A_10] : memref<3200x100xi32, #tpu.memory_space<hbm>> -> memref<100x100xi32, #tpu.memory_space<hbm>>
    tpu.enqueue_dma source(%dma_start3A_11 : memref<100x100xi32, #tpu.memory_space<hbm>>) target(%arg8 : memref<100x100xi32, #tpu.memory_space<vmem>>) target_semaphore(%arg13 : memref<!tpu.dma_semaphore, #tpu.memory_space<semaphore_mem>>)
    %scan3A = arith.constant 0 : i32
    %scan3A_12 = arith.constant 0 : i32
    %scan3A_13 = arith.constant 100 : i32
    %scan3A_14 = arith.addi %scan3A_12, %scan3A_13 : i32
    %scan3A_15 = arith.constant 1 : i32
    scf.for %scan3A_92 = %scan3A_12 to %scan3A_14 step %scan3A_15  : i32 {
      %scan3A_93 = arith.constant 0 : i32
      %scan3A_94 = arith.constant 8 : i32
      %scan3A_95 = arith.addi %scan3A_93, %scan3A_94 : i32
      %scan3A_96 = arith.constant 1 : i32
      scf.for %scan3A_98 = %scan3A_93 to %scan3A_95 step %scan3A_96  : i32 {
        %broadcast_in_dim3A = arith.constant 0.000000e+00 : f32
        %broadcast_in_dim3A_99 = vector.broadcast %broadcast_in_dim3A : f32 to vector<16xf32>
        %mul3A_100 = arith.constant 16 : i32
        %mul3A_101 = arith.muli %scan3A_98, %mul3A_100 : i32
        %swap3A = arith.index_cast %scan3A_92 : i32 to index
        %swap3A_102 = arith.index_cast %mul3A_101 : i32 to index
        %swap3A_103 = tpu.vector_load %arg9[%swap3A, %swap3A_102] {strides = array<i32>} : memref<100x128xf32, #tpu.memory_space<vmem>>, vector<16xf32>,
        tpu.vector_store %arg9[%swap3A, %swap3A_102], %broadcast_in_dim3A_99 {strides = array<i32>} : memref<100x128xf32, #tpu.memory_space<vmem>>, vector<16xf32>,
      }
      %scan3A_97 = arith.constant 8 : i32
    }
    %scan3A_16 = arith.constant 100 : i32
    %mul3A_17 = arith.constant 625 : i32
    %mul3A_18 = arith.muli %arg1, %mul3A_17 : i32
    %add3A_19 = arith.constant 0 : i32
    %add3A_20 = arith.addi %mul3A_18, %add3A_19 : i32
    "tpu.region"() ({
      %run_scoped3A_92 = tpu.sem_alloc : memref<!tpu.dma_semaphore, #tpu.memory_space<semaphore_mem>>
      %dma_start3A_93 = arith.constant 0 : i32
      %dma_start3A_94 = tpu.memref_slice %arg6[%add3A_20, %dma_start3A_93] : memref<10000x128xf32, #tpu.memory_space<vmem_shared>> -> memref<100x128xf32, #tpu.memory_space<vmem_shared>>
      %dma_start3A_95 = arith.constant 0 : i32
      %dma_start3A_96 = tpu.memref_slice %arg6[%add3A_20, %dma_start3A_95] : memref<10000x128xf32, #tpu.memory_space<vmem_shared>> -> memref<100x128xf32, #tpu.memory_space<vmem_shared>>
      tpu.enqueue_dma source(%arg9 : memref<100x128xf32, #tpu.memory_space<vmem>>) target(%dma_start3A_96 : memref<100x128xf32, #tpu.memory_space<vmem_shared>>) target_semaphore(%run_scoped3A_92 : memref<!tpu.dma_semaphore, #tpu.memory_space<semaphore_mem>>)
      %dma_wait3A_97 = arith.constant 0 : i32
      %dma_wait3A_98 = tpu.memref_slice %arg6[%add3A_20, %dma_wait3A_97] : memref<10000x128xf32, #tpu.memory_space<vmem_shared>> -> memref<100x128xf32, #tpu.memory_space<vmem_shared>>
      %dma_wait3A_99 = arith.constant 0 : i32
      %dma_wait3A_100 = tpu.memref_slice %arg6[%add3A_20, %dma_wait3A_99] : memref<10000x128xf32, #tpu.memory_space<vmem_shared>> -> memref<100x128xf32, #tpu.memory_space<vmem_shared>>
      tpu.wait_dma2 semaphore(%run_scoped3A_92 : memref<!tpu.dma_semaphore, #tpu.memory_space<semaphore_mem>>) src(%arg9 : memref<100x128xf32, #tpu.memory_space<vmem>>) dst(%dma_wait3A_100 : memref<100x128xf32, #tpu.memory_space<vmem_shared>>)
      tpu.yield
    }) : () -> ()
    %mul3A_21 = arith.constant 625 : i32
    %mul3A_22 = arith.muli %arg1, %mul3A_21 : i32
    %add3A_23 = arith.constant 100 : i32
    %add3A_24 = arith.addi %mul3A_22, %add3A_23 : i32
    "tpu.region"() ({
      %run_scoped3A_92 = tpu.sem_alloc : memref<!tpu.dma_semaphore, #tpu.memory_space<semaphore_mem>>
      %dma_start3A_93 = arith.constant 0 : i32
      %dma_start3A_94 = tpu.memref_slice %arg6[%add3A_24, %dma_start3A_93] : memref<10000x128xf32, #tpu.memory_space<vmem_shared>> -> memref<100x128xf32, #tpu.memory_space<vmem_shared>>
      %dma_start3A_95 = arith.constant 0 : i32
      %dma_start3A_96 = tpu.memref_slice %arg6[%add3A_24, %dma_start3A_95] : memref<10000x128xf32, #tpu.memory_space<vmem_shared>> -> memref<100x128xf32, #tpu.memory_space<vmem_shared>>
      tpu.enqueue_dma source(%arg9 : memref<100x128xf32, #tpu.memory_space<vmem>>) target(%dma_start3A_96 : memref<100x128xf32, #tpu.memory_space<vmem_shared>>) target_semaphore(%run_scoped3A_92 : memref<!tpu.dma_semaphore, #tpu.memory_space<semaphore_mem>>)
      %dma_wait3A_97 = arith.constant 0 : i32
      %dma_wait3A_98 = tpu.memref_slice %arg6[%add3A_24, %dma_wait3A_97] : memref<10000x128xf32, #tpu.memory_space<vmem_shared>> -> memref<100x128xf32, #tpu.memory_space<vmem_shared>>
      %dma_wait3A_99 = arith.constant 0 : i32
      %dma_wait3A_100 = tpu.memref_slice %arg6[%add3A_24, %dma_wait3A_99] : memref<10000x128xf32, #tpu.memory_space<vmem_shared>> -> memref<100x128xf32, #tpu.memory_space<vmem_shared>>
      tpu.wait_dma2 semaphore(%run_scoped3A_92 : memref<!tpu.dma_semaphore, #tpu.memory_space<semaphore_mem>>) src(%arg9 : memref<100x128xf32, #tpu.memory_space<vmem>>) dst(%dma_wait3A_100 : memref<100x128xf32, #tpu.memory_space<vmem_shared>>)
      tpu.yield
    }) : () -> ()
    %mul3A_25 = arith.constant 625 : i32
    %mul3A_26 = arith.muli %arg1, %mul3A_25 : i32
    %add3A_27 = arith.constant 200 : i32
    %add3A_28 = arith.addi %mul3A_26, %add3A_27 : i32
    "tpu.region"() ({
      %run_scoped3A_92 = tpu.sem_alloc : memref<!tpu.dma_semaphore, #tpu.memory_space<semaphore_mem>>
      %dma_start3A_93 = arith.constant 0 : i32
      %dma_start3A_94 = tpu.memref_slice %arg6[%add3A_28, %dma_start3A_93] : memref<10000x128xf32, #tpu.memory_space<vmem_shared>> -> memref<100x128xf32, #tpu.memory_space<vmem_shared>>
      %dma_start3A_95 = arith.constant 0 : i32
      %dma_start3A_96 = tpu.memref_slice %arg6[%add3A_28, %dma_start3A_95] : memref<10000x128xf32, #tpu.memory_space<vmem_shared>> -> memref<100x128xf32, #tpu.memory_space<vmem_shared>>
      tpu.enqueue_dma source(%arg9 : memref<100x128xf32, #tpu.memory_space<vmem>>) target(%dma_start3A_96 : memref<100x128xf32, #tpu.memory_space<vmem_shared>>) target_semaphore(%run_scoped3A_92 : memref<!tpu.dma_semaphore, #tpu.memory_space<semaphore_mem>>)
      %dma_wait3A_97 = arith.constant 0 : i32
      %dma_wait3A_98 = tpu.memref_slice %arg6[%add3A_28, %dma_wait3A_97] : memref<10000x128xf32, #tpu.memory_space<vmem_shared>> -> memref<100x128xf32, #tpu.memory_space<vmem_shared>>
      %dma_wait3A_99 = arith.constant 0 : i32
      %dma_wait3A_100 = tpu.memref_slice %arg6[%add3A_28, %dma_wait3A_99] : memref<10000x128xf32, #tpu.memory_space<vmem_shared>> -> memref<100x128xf32, #tpu.memory_space<vmem_shared>>
      tpu.wait_dma2 semaphore(%run_scoped3A_92 : memref<!tpu.dma_semaphore, #tpu.memory_space<semaphore_mem>>) src(%arg9 : memref<100x128xf32, #tpu.memory_space<vmem>>) dst(%dma_wait3A_100 : memref<100x128xf32, #tpu.memory_space<vmem_shared>>)
      tpu.yield
    }) : () -> ()
    %mul3A_29 = arith.constant 625 : i32
    %mul3A_30 = arith.muli %arg1, %mul3A_29 : i32
    %add3A_31 = arith.constant 300 : i32
    %add3A_32 = arith.addi %mul3A_30, %add3A_31 : i32
    "tpu.region"() ({
      %run_scoped3A_92 = tpu.sem_alloc : memref<!tpu.dma_semaphore, #tpu.memory_space<semaphore_mem>>
      %dma_start3A_93 = arith.constant 0 : i32
      %dma_start3A_94 = tpu.memref_slice %arg6[%add3A_32, %dma_start3A_93] : memref<10000x128xf32, #tpu.memory_space<vmem_shared>> -> memref<100x128xf32, #tpu.memory_space<vmem_shared>>
      %dma_start3A_95 = arith.constant 0 : i32
      %dma_start3A_96 = tpu.memref_slice %arg6[%add3A_32, %dma_start3A_95] : memref<10000x128xf32, #tpu.memory_space<vmem_shared>> -> memref<100x128xf32, #tpu.memory_space<vmem_shared>>
      tpu.enqueue_dma source(%arg9 : memref<100x128xf32, #tpu.memory_space<vmem>>) target(%dma_start3A_96 : memref<100x128xf32, #tpu.memory_space<vmem_shared>>) target_semaphore(%run_scoped3A_92 : memref<!tpu.dma_semaphore, #tpu.memory_space<semaphore_mem>>)
      %dma_wait3A_97 = arith.constant 0 : i32
      %dma_wait3A_98 = tpu.memref_slice %arg6[%add3A_32, %dma_wait3A_97] : memref<10000x128xf32, #tpu.memory_space<vmem_shared>> -> memref<100x128xf32, #tpu.memory_space<vmem_shared>>
      %dma_wait3A_99 = arith.constant 0 : i32
      %dma_wait3A_100 = tpu.memref_slice %arg6[%add3A_32, %dma_wait3A_99] : memref<10000x128xf32, #tpu.memory_space<vmem_shared>> -> memref<100x128xf32, #tpu.memory_space<vmem_shared>>
      tpu.wait_dma2 semaphore(%run_scoped3A_92 : memref<!tpu.dma_semaphore, #tpu.memory_space<semaphore_mem>>) src(%arg9 : memref<100x128xf32, #tpu.memory_space<vmem>>) dst(%dma_wait3A_100 : memref<100x128xf32, #tpu.memory_space<vmem_shared>>)
      tpu.yield
    }) : () -> ()
    %mul3A_33 = arith.constant 625 : i32
    %mul3A_34 = arith.muli %arg1, %mul3A_33 : i32
    %add3A_35 = arith.constant 400 : i32
    %add3A_36 = arith.addi %mul3A_34, %add3A_35 : i32
    "tpu.region"() ({
      %run_scoped3A_92 = tpu.sem_alloc : memref<!tpu.dma_semaphore, #tpu.memory_space<semaphore_mem>>
      %dma_start3A_93 = arith.constant 0 : i32
      %dma_start3A_94 = tpu.memref_slice %arg6[%add3A_36, %dma_start3A_93] : memref<10000x128xf32, #tpu.memory_space<vmem_shared>> -> memref<100x128xf32, #tpu.memory_space<vmem_shared>>
      %dma_start3A_95 = arith.constant 0 : i32
      %dma_start3A_96 = tpu.memref_slice %arg6[%add3A_36, %dma_start3A_95] : memref<10000x128xf32, #tpu.memory_space<vmem_shared>> -> memref<100x128xf32, #tpu.memory_space<vmem_shared>>
      tpu.enqueue_dma source(%arg9 : memref<100x128xf32, #tpu.memory_space<vmem>>) target(%dma_start3A_96 : memref<100x128xf32, #tpu.memory_space<vmem_shared>>) target_semaphore(%run_scoped3A_92 : memref<!tpu.dma_semaphore, #tpu.memory_space<semaphore_mem>>)
      %dma_wait3A_97 = arith.constant 0 : i32
      %dma_wait3A_98 = tpu.memref_slice %arg6[%add3A_36, %dma_wait3A_97] : memref<10000x128xf32, #tpu.memory_space<vmem_shared>> -> memref<100x128xf32, #tpu.memory_space<vmem_shared>>
      %dma_wait3A_99 = arith.constant 0 : i32
      %dma_wait3A_100 = tpu.memref_slice %arg6[%add3A_36, %dma_wait3A_99] : memref<10000x128xf32, #tpu.memory_space<vmem_shared>> -> memref<100x128xf32, #tpu.memory_space<vmem_shared>>
      tpu.wait_dma2 semaphore(%run_scoped3A_92 : memref<!tpu.dma_semaphore, #tpu.memory_space<semaphore_mem>>) src(%arg9 : memref<100x128xf32, #tpu.memory_space<vmem>>) dst(%dma_wait3A_100 : memref<100x128xf32, #tpu.memory_space<vmem_shared>>)
      tpu.yield
    }) : () -> ()
    %mul3A_37 = arith.constant 625 : i32
    %mul3A_38 = arith.muli %arg1, %mul3A_37 : i32
    %add3A_39 = arith.constant 500 : i32
    %add3A_40 = arith.addi %mul3A_38, %add3A_39 : i32
    "tpu.region"() ({
      %run_scoped3A_92 = tpu.sem_alloc : memref<!tpu.dma_semaphore, #tpu.memory_space<semaphore_mem>>
      %dma_start3A_93 = arith.constant 0 : i32
      %dma_start3A_94 = tpu.memref_slice %arg6[%add3A_40, %dma_start3A_93] : memref<10000x128xf32, #tpu.memory_space<vmem_shared>> -> memref<100x128xf32, #tpu.memory_space<vmem_shared>>
      %dma_start3A_95 = arith.constant 0 : i32
      %dma_start3A_96 = tpu.memref_slice %arg6[%add3A_40, %dma_start3A_95] : memref<10000x128xf32, #tpu.memory_space<vmem_shared>> -> memref<100x128xf32, #tpu.memory_space<vmem_shared>>
      tpu.enqueue_dma source(%arg9 : memref<100x128xf32, #tpu.memory_space<vmem>>) target(%dma_start3A_96 : memref<100x128xf32, #tpu.memory_space<vmem_shared>>) target_semaphore(%run_scoped3A_92 : memref<!tpu.dma_semaphore, #tpu.memory_space<semaphore_mem>>)
      %dma_wait3A_97 = arith.constant 0 : i32
      %dma_wait3A_98 = tpu.memref_slice %arg6[%add3A_40, %dma_wait3A_97] : memref<10000x128xf32, #tpu.memory_space<vmem_shared>> -> memref<100x128xf32, #tpu.memory_space<vmem_shared>>
      %dma_wait3A_99 = arith.constant 0 : i32
      %dma_wait3A_100 = tpu.memref_slice %arg6[%add3A_40, %dma_wait3A_99] : memref<10000x128xf32, #tpu.memory_space<vmem_shared>> -> memref<100x128xf32, #tpu.memory_space<vmem_shared>>
      tpu.wait_dma2 semaphore(%run_scoped3A_92 : memref<!tpu.dma_semaphore, #tpu.memory_space<semaphore_mem>>) src(%arg9 : memref<100x128xf32, #tpu.memory_space<vmem>>) dst(%dma_wait3A_100 : memref<100x128xf32, #tpu.memory_space<vmem_shared>>)
      tpu.yield
    }) : () -> ()
    %mul3A_41 = arith.constant 625 : i32
    %mul3A_42 = arith.muli %arg1, %mul3A_41 : i32
    %add3A_43 = arith.constant 600 : i32
    %add3A_44 = arith.addi %mul3A_42, %add3A_43 : i32
    "tpu.region"() ({
      %run_scoped3A_92 = tpu.sem_alloc : memref<!tpu.dma_semaphore, #tpu.memory_space<semaphore_mem>>
      %dma_start3A_93 = arith.constant 0 : i32
      %dma_start3A_94 = arith.constant 0 : i32
      %dma_start3A_95 = tpu.memref_slice %arg9[%dma_start3A_93, %dma_start3A_94] : memref<100x128xf32, #tpu.memory_space<vmem>> -> memref<25x128xf32, #tpu.memory_space<vmem>>
      %dma_start3A_96 = arith.constant 0 : i32
      %dma_start3A_97 = tpu.memref_slice %arg6[%add3A_44, %dma_start3A_96] : memref<10000x128xf32, #tpu.memory_space<vmem_shared>> -> memref<25x128xf32, #tpu.memory_space<vmem_shared>>
      %dma_start3A_98 = arith.constant 0 : i32
      %dma_start3A_99 = tpu.memref_slice %arg6[%add3A_44, %dma_start3A_98] : memref<10000x128xf32, #tpu.memory_space<vmem_shared>> -> memref<25x128xf32, #tpu.memory_space<vmem_shared>>
      %dma_start3A_100 = arith.constant 0 : i32
      %dma_start3A_101 = arith.constant 0 : i32
      %dma_start3A_102 = tpu.memref_slice %arg9[%dma_start3A_100, %dma_start3A_101] : memref<100x128xf32, #tpu.memory_space<vmem>> -> memref<25x128xf32, #tpu.memory_space<vmem>>
      tpu.enqueue_dma source(%dma_start3A_102 : memref<25x128xf32, #tpu.memory_space<vmem>>) target(%dma_start3A_99 : memref<25x128xf32, #tpu.memory_space<vmem_shared>>) target_semaphore(%run_scoped3A_92 : memref<!tpu.dma_semaphore, #tpu.memory_space<semaphore_mem>>)
      %dma_wait3A_103 = arith.constant 0 : i32
      %dma_wait3A_104 = arith.constant 0 : i32
      %dma_wait3A_105 = tpu.memref_slice %arg9[%dma_wait3A_103, %dma_wait3A_104] : memref<100x128xf32, #tpu.memory_space<vmem>> -> memref<25x128xf32, #tpu.memory_space<vmem>>
      %dma_wait3A_106 = arith.constant 0 : i32
      %dma_wait3A_107 = tpu.memref_slice %arg6[%add3A_44, %dma_wait3A_106] : memref<10000x128xf32, #tpu.memory_space<vmem_shared>> -> memref<25x128xf32, #tpu.memory_space<vmem_shared>>
      %dma_wait3A_108 = arith.constant 0 : i32
      %dma_wait3A_109 = tpu.memref_slice %arg6[%add3A_44, %dma_wait3A_108] : memref<10000x128xf32, #tpu.memory_space<vmem_shared>> -> memref<25x128xf32, #tpu.memory_space<vmem_shared>>
      %dma_wait3A_110 = arith.constant 0 : i32
      %dma_wait3A_111 = arith.constant 0 : i32
      %dma_wait3A_112 = tpu.memref_slice %arg9[%dma_wait3A_110, %dma_wait3A_111] : memref<100x128xf32, #tpu.memory_space<vmem>> -> memref<25x128xf32, #tpu.memory_space<vmem>>
      tpu.wait_dma2 semaphore(%run_scoped3A_92 : memref<!tpu.dma_semaphore, #tpu.memory_space<semaphore_mem>>) src(%dma_wait3A_112 : memref<25x128xf32, #tpu.memory_space<vmem>>) dst(%dma_wait3A_109 : memref<25x128xf32, #tpu.memory_space<vmem_shared>>)
      tpu.yield
    }) : () -> ()
    %dma_wait3A = arith.constant 0 : i32
    %dma_wait3A_45 = tpu.memref_slice %arg3[%mul3A_2, %dma_wait3A] : memref<3200x100xi32, #tpu.memory_space<hbm>> -> memref<100x100xi32, #tpu.memory_space<hbm>>
    %dma_wait3A_46 = arith.constant 0 : i32
    %dma_wait3A_47 = tpu.memref_slice %arg3[%mul3A_2, %dma_wait3A_46] : memref<3200x100xi32, #tpu.memory_space<hbm>> -> memref<100x100xi32, #tpu.memory_space<hbm>>
    tpu.wait_dma2 semaphore(%arg13 : memref<!tpu.dma_semaphore, #tpu.memory_space<semaphore_mem>>) src(%dma_wait3A_47 : memref<100x100xi32, #tpu.memory_space<hbm>>) dst(%arg7 : memref<100x100xi32, #tpu.memory_space<vmem>>)
    %dma_wait3A_48 = arith.constant 0 : i32
    %dma_wait3A_49 = tpu.memref_slice %arg4[%mul3A_7, %dma_wait3A_48] : memref<3200x100xi32, #tpu.memory_space<hbm>> -> memref<100x100xi32, #tpu.memory_space<hbm>>
    %dma_wait3A_50 = arith.constant 0 : i32
    %dma_wait3A_51 = tpu.memref_slice %arg4[%mul3A_7, %dma_wait3A_50] : memref<3200x100xi32, #tpu.memory_space<hbm>> -> memref<100x100xi32, #tpu.memory_space<hbm>>
    tpu.wait_dma2 semaphore(%arg13 : memref<!tpu.dma_semaphore, #tpu.memory_space<semaphore_mem>>) src(%dma_wait3A_51 : memref<100x100xi32, #tpu.memory_space<hbm>>) dst(%arg8 : memref<100x100xi32, #tpu.memory_space<vmem>>)
    %barrier3A = arith.constant 0 : index
    tpu.barrier barrier_id(%barrier3A)
    %dma_start3A_52 = arith.constant 0 : i32
    %dma_start3A_53 = arith.constant 0 : i32
    %dma_start3A_54 = tpu.memref_slice %arg7[%dma_start3A_52, %dma_start3A_53] : memref<100x100xi32, #tpu.memory_space<vmem>> -> memref<1x100xi32, #tpu.memory_space<vmem>>
    %dma_start3A_55 = tpu.memref_squeeze %dma_start3A_54 : memref<1x100xi32, #tpu.memory_space<vmem>> -> memref<100xi32, #tpu.memory_space<vmem>>
    %dma_start3A_56 = arith.constant 0 : i32
    %dma_start3A_57 = arith.constant 0 : i32
    %dma_start3A_58 = tpu.memref_slice %arg2[%dma_start3A_56, %dma_start3A_57] : memref<10000x128xf32, #tpu.memory_space<hbm>> -> memref<10000x128xf32, #tpu.memory_space<hbm>>
    tpu.enqueue_indirect_dma source(%dma_start3A_58 : memref<10000x128xf32, #tpu.memory_space<hbm>>) target(%arg9 : memref<100x128xf32, #tpu.memory_space<vmem>>) offsets(%dma_start3A_55 : memref<100xi32, #tpu.memory_space<vmem>>) semaphore(%arg11 : memref<!tpu.dma_semaphore, #tpu.memory_space<semaphore_mem>>)
    %scan3A_59 = arith.constant 0 : i32
    %scan3A_60 = arith.constant 0 : i32
    %scan3A_61 = arith.constant 49 : i32
    %scan3A_62 = arith.addi %scan3A_60, %scan3A_61 : i32
    %scan3A_63 = arith.constant 1 : i32
    scf.for %scan3A_92 = %scan3A_60 to %scan3A_62 step %scan3A_63  : i32 {
      %mul3A_93 = arith.constant 2 : i32
      %mul3A_94 = arith.muli %mul3A_93, %scan3A_92 : i32
      %add3A_95 = arith.constant 1 : i32
      %add3A_96 = arith.addi %mul3A_94, %add3A_95 : i32
      %add3A_97 = arith.constant 2 : i32
      %add3A_98 = arith.addi %mul3A_94, %add3A_97 : i32
      %dma_start3A_99 = arith.constant 0 : i32
      %dma_start3A_100 = tpu.memref_slice %arg7[%add3A_96, %dma_start3A_99] : memref<100x100xi32, #tpu.memory_space<vmem>> -> memref<1x100xi32, #tpu.memory_space<vmem>>
      %dma_start3A_101 = tpu.memref_squeeze %dma_start3A_100 : memref<1x100xi32, #tpu.memory_space<vmem>> -> memref<100xi32, #tpu.memory_space<vmem>>
      %dma_start3A_102 = arith.constant 0 : i32
      %dma_start3A_103 = arith.constant 0 : i32
      %dma_start3A_104 = tpu.memref_slice %arg2[%dma_start3A_102, %dma_start3A_103] : memref<10000x128xf32, #tpu.memory_space<hbm>> -> memref<10000x128xf32, #tpu.memory_space<hbm>>
      tpu.enqueue_indirect_dma source(%dma_start3A_104 : memref<10000x128xf32, #tpu.memory_space<hbm>>) target(%arg10 : memref<100x128xf32, #tpu.memory_space<vmem>>) offsets(%dma_start3A_101 : memref<100xi32, #tpu.memory_space<vmem>>) semaphore(%arg12 : memref<!tpu.dma_semaphore, #tpu.memory_space<semaphore_mem>>)
      %dma_wait3A_105 = arith.constant 0 : i32
      %dma_wait3A_106 = tpu.memref_slice %arg7[%mul3A_94, %dma_wait3A_105] : memref<100x100xi32, #tpu.memory_space<vmem>> -> memref<1x100xi32, #tpu.memory_space<vmem>>
      %dma_wait3A_107 = tpu.memref_squeeze %dma_wait3A_106 : memref<1x100xi32, #tpu.memory_space<vmem>> -> memref<100xi32, #tpu.memory_space<vmem>>
      %dma_wait3A_108 = arith.constant 0 : i32
      %dma_wait3A_109 = arith.constant 0 : i32
      %dma_wait3A_110 = tpu.memref_slice %arg2[%dma_wait3A_108, %dma_wait3A_109] : memref<10000x128xf32, #tpu.memory_space<hbm>> -> memref<10000x128xf32, #tpu.memory_space<hbm>>
      tpu.wait_indirect_dma semaphore(%arg11 : memref<!tpu.dma_semaphore, #tpu.memory_space<semaphore_mem>>) src(%dma_wait3A_110 : memref<10000x128xf32, #tpu.memory_space<hbm>>) dst(%arg9 : memref<100x128xf32, #tpu.memory_space<vmem>>)
      "tpu.region"() ({
        %run_scoped3A_123 = tpu.sem_alloc : memref<!tpu.dma_semaphore, #tpu.memory_space<semaphore_mem>>
        %dma_start3A_124 = arith.constant 0 : i32
        %dma_start3A_125 = tpu.memref_slice %arg8[%mul3A_94, %dma_start3A_124] : memref<100x100xi32, #tpu.memory_space<vmem>> -> memref<1x100xi32, #tpu.memory_space<vmem>>
        %dma_start3A_126 = tpu.memref_squeeze %dma_start3A_125 : memref<1x100xi32, #tpu.memory_space<vmem>> -> memref<100xi32, #tpu.memory_space<vmem>>
        %dma_start3A_127 = arith.constant 0 : i32
        %dma_start3A_128 = arith.constant 0 : i32
        %dma_start3A_129 = tpu.memref_slice %arg6[%dma_start3A_127, %dma_start3A_128] : memref<10000x128xf32, #tpu.memory_space<vmem_shared>> -> memref<10000x128xf32, #tpu.memory_space<vmem_shared>>
        tpu.enqueue_indirect_dma source(%arg9 : memref<100x128xf32, #tpu.memory_space<vmem>>) target(%dma_start3A_129 : memref<10000x128xf32, #tpu.memory_space<vmem_shared>>) offsets(%dma_start3A_126 : memref<100xi32, #tpu.memory_space<vmem>>) semaphore(%run_scoped3A_123 : memref<!tpu.dma_semaphore, #tpu.memory_space<semaphore_mem>>) {add = true}
        %dma_wait3A_130 = arith.constant 0 : i32
        %dma_wait3A_131 = tpu.memref_slice %arg8[%mul3A_94, %dma_wait3A_130] : memref<100x100xi32, #tpu.memory_space<vmem>> -> memref<1x100xi32, #tpu.memory_space<vmem>>
        %dma_wait3A_132 = tpu.memref_squeeze %dma_wait3A_131 : memref<1x100xi32, #tpu.memory_space<vmem>> -> memref<100xi32, #tpu.memory_space<vmem>>
        %dma_wait3A_133 = arith.constant 0 : i32
        %dma_wait3A_134 = arith.constant 0 : i32
        %dma_wait3A_135 = tpu.memref_slice %arg6[%dma_wait3A_133, %dma_wait3A_134] : memref<10000x128xf32, #tpu.memory_space<vmem_shared>> -> memref<10000x128xf32, #tpu.memory_space<vmem_shared>>
        tpu.wait_indirect_dma semaphore(%run_scoped3A_123 : memref<!tpu.dma_semaphore, #tpu.memory_space<semaphore_mem>>) src(%arg9 : memref<100x128xf32, #tpu.memory_space<vmem>>) dst(%dma_wait3A_135 : memref<10000x128xf32, #tpu.memory_space<vmem_shared>>)
        tpu.yield
      }) : () -> ()
      %dma_start3A_111 = arith.constant 0 : i32
      %dma_start3A_112 = tpu.memref_slice %arg7[%add3A_98, %dma_start3A_111] : memref<100x100xi32, #tpu.memory_space<vmem>> -> memref<1x100xi32, #tpu.memory_space<vmem>>
      %dma_start3A_113 = tpu.memref_squeeze %dma_start3A_112 : memref<1x100xi32, #tpu.memory_space<vmem>> -> memref<100xi32, #tpu.memory_space<vmem>>
      %dma_start3A_114 = arith.constant 0 : i32
      %dma_start3A_115 = arith.constant 0 : i32
      %dma_start3A_116 = tpu.memref_slice %arg2[%dma_start3A_114, %dma_start3A_115] : memref<10000x128xf32, #tpu.memory_space<hbm>> -> memref<10000x128xf32, #tpu.memory_space<hbm>>
      tpu.enqueue_indirect_dma source(%dma_start3A_116 : memref<10000x128xf32, #tpu.memory_space<hbm>>) target(%arg9 : memref<100x128xf32, #tpu.memory_space<vmem>>) offsets(%dma_start3A_113 : memref<100xi32, #tpu.memory_space<vmem>>) semaphore(%arg11 : memref<!tpu.dma_semaphore, #tpu.memory_space<semaphore_mem>>)
      %dma_wait3A_117 = arith.constant 0 : i32
      %dma_wait3A_118 = tpu.memref_slice %arg7[%add3A_96, %dma_wait3A_117] : memref<100x100xi32, #tpu.memory_space<vmem>> -> memref<1x100xi32, #tpu.memory_space<vmem>>
      %dma_wait3A_119 = tpu.memref_squeeze %dma_wait3A_118 : memref<1x100xi32, #tpu.memory_space<vmem>> -> memref<100xi32, #tpu.memory_space<vmem>>
      %dma_wait3A_120 = arith.constant 0 : i32
      %dma_wait3A_121 = arith.constant 0 : i32
      %dma_wait3A_122 = tpu.memref_slice %arg2[%dma_wait3A_120, %dma_wait3A_121] : memref<10000x128xf32, #tpu.memory_space<hbm>> -> memref<10000x128xf32, #tpu.memory_space<hbm>>
      tpu.wait_indirect_dma semaphore(%arg12 : memref<!tpu.dma_semaphore, #tpu.memory_space<semaphore_mem>>) src(%dma_wait3A_122 : memref<10000x128xf32, #tpu.memory_space<hbm>>) dst(%arg10 : memref<100x128xf32, #tpu.memory_space<vmem>>)
      "tpu.region"() ({
        %run_scoped3A_123 = tpu.sem_alloc : memref<!tpu.dma_semaphore, #tpu.memory_space<semaphore_mem>>
        %dma_start3A_124 = arith.constant 0 : i32
        %dma_start3A_125 = tpu.memref_slice %arg8[%add3A_96, %dma_start3A_124] : memref<100x100xi32, #tpu.memory_space<vmem>> -> memref<1x100xi32, #tpu.memory_space<vmem>>
        %dma_start3A_126 = tpu.memref_squeeze %dma_start3A_125 : memref<1x100xi32, #tpu.memory_space<vmem>> -> memref<100xi32, #tpu.memory_space<vmem>>
        %dma_start3A_127 = arith.constant 0 : i32
        %dma_start3A_128 = arith.constant 0 : i32
        %dma_start3A_129 = tpu.memref_slice %arg6[%dma_start3A_127, %dma_start3A_128] : memref<10000x128xf32, #tpu.memory_space<vmem_shared>> -> memref<10000x128xf32, #tpu.memory_space<vmem_shared>>
        tpu.enqueue_indirect_dma source(%arg10 : memref<100x128xf32, #tpu.memory_space<vmem>>) target(%dma_start3A_129 : memref<10000x128xf32, #tpu.memory_space<vmem_shared>>) offsets(%dma_start3A_126 : memref<100xi32, #tpu.memory_space<vmem>>) semaphore(%run_scoped3A_123 : memref<!tpu.dma_semaphore, #tpu.memory_space<semaphore_mem>>) {add = true}
        %dma_wait3A_130 = arith.constant 0 : i32
        %dma_wait3A_131 = tpu.memref_slice %arg8[%add3A_96, %dma_wait3A_130] : memref<100x100xi32, #tpu.memory_space<vmem>> -> memref<1x100xi32, #tpu.memory_space<vmem>>
        %dma_wait3A_132 = tpu.memref_squeeze %dma_wait3A_131 : memref<1x100xi32, #tpu.memory_space<vmem>> -> memref<100xi32, #tpu.memory_space<vmem>>
        %dma_wait3A_133 = arith.constant 0 : i32
        %dma_wait3A_134 = arith.constant 0 : i32
        %dma_wait3A_135 = tpu.memref_slice %arg6[%dma_wait3A_133, %dma_wait3A_134] : memref<10000x128xf32, #tpu.memory_space<vmem_shared>> -> memref<10000x128xf32, #tpu.memory_space<vmem_shared>>
        tpu.wait_indirect_dma semaphore(%run_scoped3A_123 : memref<!tpu.dma_semaphore, #tpu.memory_space<semaphore_mem>>) src(%arg10 : memref<100x128xf32, #tpu.memory_space<vmem>>) dst(%dma_wait3A_135 : memref<10000x128xf32, #tpu.memory_space<vmem_shared>>)
        tpu.yield
      }) : () -> ()
    }
    %scan3A_64 = arith.constant 49 : i32
    %dma_start3A_65 = arith.constant 99 : i32
    %dma_start3A_66 = arith.constant 0 : i32
    %dma_start3A_67 = tpu.memref_slice %arg7[%dma_start3A_65, %dma_start3A_66] : memref<100x100xi32, #tpu.memory_space<vmem>> -> memref<1x100xi32, #tpu.memory_space<vmem>>
    %dma_start3A_68 = tpu.memref_squeeze %dma_start3A_67 : memref<1x100xi32, #tpu.memory_space<vmem>> -> memref<100xi32, #tpu.memory_space<vmem>>
    %dma_start3A_69 = arith.constant 0 : i32
    %dma_start3A_70 = arith.constant 0 : i32
    %dma_start3A_71 = tpu.memref_slice %arg2[%dma_start3A_69, %dma_start3A_70] : memref<10000x128xf32, #tpu.memory_space<hbm>> -> memref<10000x128xf32, #tpu.memory_space<hbm>>
    tpu.enqueue_indirect_dma source(%dma_start3A_71 : memref<10000x128xf32, #tpu.memory_space<hbm>>) target(%arg10 : memref<100x128xf32, #tpu.memory_space<vmem>>) offsets(%dma_start3A_68 : memref<100xi32, #tpu.memory_space<vmem>>) semaphore(%arg12 : memref<!tpu.dma_semaphore, #tpu.memory_space<semaphore_mem>>)
    %dma_wait3A_72 = arith.constant 98 : i32
    %dma_wait3A_73 = arith.constant 0 : i32
    %dma_wait3A_74 = tpu.memref_slice %arg7[%dma_wait3A_72, %dma_wait3A_73] : memref<100x100xi32, #tpu.memory_space<vmem>> -> memref<1x100xi32, #tpu.memory_space<vmem>>
    %dma_wait3A_75 = tpu.memref_squeeze %dma_wait3A_74 : memref<1x100xi32, #tpu.memory_space<vmem>> -> memref<100xi32, #tpu.memory_space<vmem>>
    %dma_wait3A_76 = arith.constant 0 : i32
    %dma_wait3A_77 = arith.constant 0 : i32
    %dma_wait3A_78 = tpu.memref_slice %arg2[%dma_wait3A_76, %dma_wait3A_77] : memref<10000x128xf32, #tpu.memory_space<hbm>> -> memref<10000x128xf32, #tpu.memory_space<hbm>>
    tpu.wait_indirect_dma semaphore(%arg11 : memref<!tpu.dma_semaphore, #tpu.memory_space<semaphore_mem>>) src(%dma_wait3A_78 : memref<10000x128xf32, #tpu.memory_space<hbm>>) dst(%arg9 : memref<100x128xf32, #tpu.memory_space<vmem>>)
    %run_scoped3A = arith.constant 98 : i32
    "tpu.region"() ({
      %run_scoped3A_92 = tpu.sem_alloc : memref<!tpu.dma_semaphore, #tpu.memory_space<semaphore_mem>>
      %dma_start3A_93 = arith.constant 0 : i32
      %dma_start3A_94 = tpu.memref_slice %arg8[%run_scoped3A, %dma_start3A_93] : memref<100x100xi32, #tpu.memory_space<vmem>> -> memref<1x100xi32, #tpu.memory_space<vmem>>
      %dma_start3A_95 = tpu.memref_squeeze %dma_start3A_94 : memref<1x100xi32, #tpu.memory_space<vmem>> -> memref<100xi32, #tpu.memory_space<vmem>>
      %dma_start3A_96 = arith.constant 0 : i32
      %dma_start3A_97 = arith.constant 0 : i32
      %dma_start3A_98 = tpu.memref_slice %arg6[%dma_start3A_96, %dma_start3A_97] : memref<10000x128xf32, #tpu.memory_space<vmem_shared>> -> memref<10000x128xf32, #tpu.memory_space<vmem_shared>>
      tpu.enqueue_indirect_dma source(%arg9 : memref<100x128xf32, #tpu.memory_space<vmem>>) target(%dma_start3A_98 : memref<10000x128xf32, #tpu.memory_space<vmem_shared>>) offsets(%dma_start3A_95 : memref<100xi32, #tpu.memory_space<vmem>>) semaphore(%run_scoped3A_92 : memref<!tpu.dma_semaphore, #tpu.memory_space<semaphore_mem>>) {add = true}
      %dma_wait3A_99 = arith.constant 0 : i32
      %dma_wait3A_100 = tpu.memref_slice %arg8[%run_scoped3A, %dma_wait3A_99] : memref<100x100xi32, #tpu.memory_space<vmem>> -> memref<1x100xi32, #tpu.memory_space<vmem>>
      %dma_wait3A_101 = tpu.memref_squeeze %dma_wait3A_100 : memref<1x100xi32, #tpu.memory_space<vmem>> -> memref<100xi32, #tpu.memory_space<vmem>>
      %dma_wait3A_102 = arith.constant 0 : i32
      %dma_wait3A_103 = arith.constant 0 : i32
      %dma_wait3A_104 = tpu.memref_slice %arg6[%dma_wait3A_102, %dma_wait3A_103] : memref<10000x128xf32, #tpu.memory_space<vmem_shared>> -> memref<10000x128xf32, #tpu.memory_space<vmem_shared>>
      tpu.wait_indirect_dma semaphore(%run_scoped3A_92 : memref<!tpu.dma_semaphore, #tpu.memory_space<semaphore_mem>>) src(%arg9 : memref<100x128xf32, #tpu.memory_space<vmem>>) dst(%dma_wait3A_104 : memref<10000x128xf32, #tpu.memory_space<vmem_shared>>)
      tpu.yield
    }) : () -> ()
    %dma_wait3A_79 = arith.constant 99 : i32
    %dma_wait3A_80 = arith.constant 0 : i32
    %dma_wait3A_81 = tpu.memref_slice %arg7[%dma_wait3A_79, %dma_wait3A_80] : memref<100x100xi32, #tpu.memory_space<vmem>> -> memref<1x100xi32, #tpu.memory_space<vmem>>
    %dma_wait3A_82 = tpu.memref_squeeze %dma_wait3A_81 : memref<1x100xi32, #tpu.memory_space<vmem>> -> memref<100xi32, #tpu.memory_space<vmem>>
    %dma_wait3A_83 = arith.constant 0 : i32
    %dma_wait3A_84 = arith.constant 0 : i32
    %dma_wait3A_85 = tpu.memref_slice %arg2[%dma_wait3A_83, %dma_wait3A_84] : memref<10000x128xf32, #tpu.memory_space<hbm>> -> memref<10000x128xf32, #tpu.memory_space<hbm>>
    tpu.wait_indirect_dma semaphore(%arg12 : memref<!tpu.dma_semaphore, #tpu.memory_space<semaphore_mem>>) src(%dma_wait3A_85 : memref<10000x128xf32, #tpu.memory_space<hbm>>) dst(%arg10 : memref<100x128xf32, #tpu.memory_space<vmem>>)
    %run_scoped3A_86 = arith.constant 99 : i32
    "tpu.region"() ({
      %run_scoped3A_92 = tpu.sem_alloc : memref<!tpu.dma_semaphore, #tpu.memory_space<semaphore_mem>>
      %dma_start3A_93 = arith.constant 0 : i32
      %dma_start3A_94 = tpu.memref_slice %arg8[%run_scoped3A_86, %dma_start3A_93] : memref<100x100xi32, #tpu.memory_space<vmem>> -> memref<1x100xi32, #tpu.memory_space<vmem>>
      %dma_start3A_95 = tpu.memref_squeeze %dma_start3A_94 : memref<1x100xi32, #tpu.memory_space<vmem>> -> memref<100xi32, #tpu.memory_space<vmem>>
      %dma_start3A_96 = arith.constant 0 : i32
      %dma_start3A_97 = arith.constant 0 : i32
      %dma_start3A_98 = tpu.memref_slice %arg6[%dma_start3A_96, %dma_start3A_97] : memref<10000x128xf32, #tpu.memory_space<vmem_shared>> -> memref<10000x128xf32, #tpu.memory_space<vmem_shared>>
      tpu.enqueue_indirect_dma source(%arg10 : memref<100x128xf32, #tpu.memory_space<vmem>>) target(%dma_start3A_98 : memref<10000x128xf32, #tpu.memory_space<vmem_shared>>) offsets(%dma_start3A_95 : memref<100xi32, #tpu.memory_space<vmem>>) semaphore(%run_scoped3A_92 : memref<!tpu.dma_semaphore, #tpu.memory_space<semaphore_mem>>) {add = true}
      %dma_wait3A_99 = arith.constant 0 : i32
      %dma_wait3A_100 = tpu.memref_slice %arg8[%run_scoped3A_86, %dma_wait3A_99] : memref<100x100xi32, #tpu.memory_space<vmem>> -> memref<1x100xi32, #tpu.memory_space<vmem>>
      %dma_wait3A_101 = tpu.memref_squeeze %dma_wait3A_100 : memref<1x100xi32, #tpu.memory_space<vmem>> -> memref<100xi32, #tpu.memory_space<vmem>>
      %dma_wait3A_102 = arith.constant 0 : i32
      %dma_wait3A_103 = arith.constant 0 : i32
      %dma_wait3A_104 = tpu.memref_slice %arg6[%dma_wait3A_102, %dma_wait3A_103] : memref<10000x128xf32, #tpu.memory_space<vmem_shared>> -> memref<10000x128xf32, #tpu.memory_space<vmem_shared>>
      tpu.wait_indirect_dma semaphore(%run_scoped3A_92 : memref<!tpu.dma_semaphore, #tpu.memory_space<semaphore_mem>>) src(%arg10 : memref<100x128xf32, #tpu.memory_space<vmem>>) dst(%dma_wait3A_104 : memref<10000x128xf32, #tpu.memory_space<vmem_shared>>)
      tpu.yield
    }) : () -> ()
    %barrier3A_87 = arith.constant 0 : index
    tpu.barrier barrier_id(%barrier3A_87)
    %mul3A_88 = arith.constant 625 : i32
    %mul3A_89 = arith.muli %arg1, %mul3A_88 : i32
    %mul3A_90 = arith.constant 625 : i32
    %mul3A_91 = arith.muli %arg1, %mul3A_90 : i32
    "tpu.region"() ({
      %run_scoped3A_92 = tpu.sem_alloc : memref<!tpu.dma_semaphore, #tpu.memory_space<semaphore_mem>>
      %dma_start3A_93 = arith.constant 0 : i32
      %dma_start3A_94 = tpu.memref_slice %arg5[%arg0, %mul3A_91, %dma_start3A_93] : memref<2x10000x128xf32, #tpu.memory_space<hbm>> -> memref<1x625x128xf32, #tpu.memory_space<hbm>>
      %dma_start3A_95 = tpu.memref_squeeze %dma_start3A_94 : memref<1x625x128xf32, #tpu.memory_space<hbm>> -> memref<625x128xf32, #tpu.memory_space<hbm>>
      %dma_start3A_96 = arith.constant 0 : i32
      %dma_start3A_97 = tpu.memref_slice %arg6[%mul3A_89, %dma_start3A_96] : memref<10000x128xf32, #tpu.memory_space<vmem_shared>> -> memref<625x128xf32, #tpu.memory_space<vmem_shared>>
      tpu.enqueue_dma source(%dma_start3A_97 : memref<625x128xf32, #tpu.memory_space<vmem_shared>>) target(%dma_start3A_95 : memref<625x128xf32, #tpu.memory_space<hbm>>) target_semaphore(%run_scoped3A_92 : memref<!tpu.dma_semaphore, #tpu.memory_space<semaphore_mem>>)
      %dma_wait3A_98 = arith.constant 0 : i32
      %dma_wait3A_99 = tpu.memref_slice %arg5[%arg0, %mul3A_91, %dma_wait3A_98] : memref<2x10000x128xf32, #tpu.memory_space<hbm>> -> memref<1x625x128xf32, #tpu.memory_space<hbm>>
      %dma_wait3A_100 = tpu.memref_squeeze %dma_wait3A_99 : memref<1x625x128xf32, #tpu.memory_space<hbm>> -> memref<625x128xf32, #tpu.memory_space<hbm>>
      %dma_wait3A_101 = arith.constant 0 : i32
      %dma_wait3A_102 = tpu.memref_slice %arg6[%mul3A_89, %dma_wait3A_101] : memref<10000x128xf32, #tpu.memory_space<vmem_shared>> -> memref<625x128xf32, #tpu.memory_space<vmem_shared>>
      tpu.wait_dma2 semaphore(%run_scoped3A_92 : memref<!tpu.dma_semaphore, #tpu.memory_space<semaphore_mem>>) src(%dma_wait3A_102 : memref<625x128xf32, #tpu.memory_space<vmem_shared>>) dst(%dma_wait3A_100 : memref<625x128xf32, #tpu.memory_space<hbm>>)
      tpu.yield
    }) : () -> ()
    return
  }
}

module attributes {stable_mosaic.version = 14 : i64} {
  func.func @_in_body(%arg0: i32, %arg1: memref<1024x128xf32, #tpu.memory_space<vmem>>, %arg2: memref<128x128xf32, #tpu.memory_space<vmem>>, %arg3: memref<1x128xf32, #tpu.memory_space<vmem>>, %arg4: memref<128x128xf32, #tpu.memory_space<vmem>>, %arg5: memref<32x1024xf32, #tpu.memory_space<vmem>>, %arg6: memref<1024x128xf32, #tpu.memory_space<vmem>>, %arg7: memref<1024x128xf32, #tpu.memory_space<vmem>>, %arg8: memref<1024x1xf32, #tpu.memory_space<vmem>>) attributes {dimension_semantics = [#tpu.dimension_semantics<arbitrary>], iteration_bounds = array<i64: 10>, scalar_prefetch = 0 : i64, scratch_operands = 0 : i64, tpu.core_type = #tpu.core_type<tc>, window_params = [{transform_indices = @transform_0, window_bounds = array<i64: 1024, 128>}, {pipeline_mode = #tpu.pipeline_mode<synchronous>, transform_indices = @transform_1, window_bounds = array<i64: 128, 128>}, {pipeline_mode = #tpu.pipeline_mode<synchronous>, transform_indices = @transform_2, window_bounds = array<i64: 1, 128>}, {pipeline_mode = #tpu.pipeline_mode<synchronous>, transform_indices = @transform_3, window_bounds = array<i64: 128, 128>}, {transform_indices = @transform_4, window_bounds = array<i64: 32, 1024>}, {transform_indices = @transform_5, window_bounds = array<i64: 1024, 128>}, {transform_indices = @transform_6, window_bounds = array<i64: 1024, 128>}, {transform_indices = @transform_7, window_bounds = array<i64: 1024, 1>}]} {
    %get3A = arith.constant 0 : index
    %get3A_0 = arith.constant 0 : index
    %get3A_1 = vector.load %arg1[%get3A, %get3A_0] : memref<1024x128xf32, #tpu.memory_space<vmem>>, vector<1024x128xf32>
    %get3A_2 = arith.constant 0 : index
    %get3A_3 = arith.constant 0 : index
    %get3A_4 = vector.load %arg2[%get3A_2, %get3A_3] : memref<128x128xf32, #tpu.memory_space<vmem>>, vector<128x128xf32>
    %dot_general3A = arith.constant dense<0.000000e+00> : vector<1024x128xf32>
    %dot_general3A_5 = tpu.matmul %get3A_1, %get3A_4, %dot_general3A {dimension_numbers = #tpu.dot_dimension_numbers<[1], [1], [0], [0], [0, 0, 1, 0], [], []>, transpose_lhs_hint = false} : vector<1024x128xf32>, vector<128x128xf32>, vector<1024x128xf32> -> vector<1024x128xf32>
    %get3A_6 = arith.constant 0 : index
    %get3A_7 = arith.constant 0 : index
    %get3A_8 = vector.load %arg3[%get3A_6, %get3A_7] : memref<1x128xf32, #tpu.memory_space<vmem>>, vector<1x128xf32>
    %add3A = vector.broadcast %get3A_8 : vector<1x128xf32> to vector<1024x128xf32>
    %add3A_9 = arith.addf %dot_general3A_5, %add3A : vector<1024x128xf32>
    %swap3A = arith.constant 0 : index
    %swap3A_10 = arith.constant 0 : index
    %swap3A_11 = vector.load %arg6[%swap3A, %swap3A_10] : memref<1024x128xf32, #tpu.memory_space<vmem>>, vector<1024x128xf32>
    tpu.vector_store %arg6[%swap3A, %swap3A_10], %add3A_9 {strides = array<i32>} : memref<1024x128xf32, #tpu.memory_space<vmem>>, vector<1024x128xf32>,
    %get3A_12 = arith.constant 0 : index
    %get3A_13 = arith.constant 0 : index
    %get3A_14 = vector.load %arg4[%get3A_12, %get3A_13] : memref<128x128xf32, #tpu.memory_space<vmem>>, vector<128x128xf32>
    %dot_general3A_15 = arith.constant dense<0.000000e+00> : vector<1024x128xf32>
    %dot_general3A_16 = tpu.matmul %add3A_9, %get3A_14, %dot_general3A_15 {dimension_numbers = #tpu.dot_dimension_numbers<[1], [1], [0], [0], [0, 0, 1, 0], [], []>, transpose_lhs_hint = false} : vector<1024x128xf32>, vector<128x128xf32>, vector<1024x128xf32> -> vector<1024x128xf32>
    %broadcast_in_dim3A = arith.constant 1.000000e+00 : f32
    %broadcast_in_dim3A_17 = vector.broadcast %broadcast_in_dim3A : f32 to vector<32x1xf32>
    %get3A_18 = arith.constant 0 : index
    %get3A_19 = arith.constant 0 : index
    %get3A_20 = vector.load %arg5[%get3A_18, %get3A_19] : memref<32x1024xf32, #tpu.memory_space<vmem>>, vector<32x1024xf32>
    %dot_general3A_21 = arith.constant dense<0.000000e+00> : vector<1024x1xf32>
    %dot_general3A_22 = tpu.matmul %get3A_20, %broadcast_in_dim3A_17, %dot_general3A_21 {dimension_numbers = #tpu.dot_dimension_numbers<[0], [0], [1], [1], [0, 1, 1, 1], [], []>, transpose_lhs_hint = false} : vector<32x1024xf32>, vector<32x1xf32>, vector<1024x1xf32> -> vector<1024x1xf32>
    %add3A_23 = arith.constant 1.000000e+00 : f32
    %add3A_24 = vector.broadcast %add3A_23 : f32 to vector<1024x1xf32>
    %add3A_25 = arith.addf %add3A_24, %dot_general3A_22 : vector<1024x1xf32>
    %rsqrt3A = math.rsqrt %add3A_25 : vector<1024x1xf32>
    %swap3A_26 = arith.constant 0 : index
    %swap3A_27 = arith.constant 0 : index
    %swap3A_28 = vector.load %arg8[%swap3A_26, %swap3A_27] : memref<1024x1xf32, #tpu.memory_space<vmem>>, vector<1024x1xf32>
    tpu.vector_store %arg8[%swap3A_26, %swap3A_27], %rsqrt3A {strides = array<i32>} : memref<1024x1xf32, #tpu.memory_space<vmem>>, vector<1024x1xf32>,
    %mul3A = vector.broadcast %rsqrt3A : vector<1024x1xf32> to vector<1024x128xf32>
    %mul3A_29 = arith.mulf %dot_general3A_16, %mul3A : vector<1024x128xf32>
    %swap3A_30 = arith.constant 0 : index
    %swap3A_31 = arith.constant 0 : index
    %swap3A_32 = vector.load %arg7[%swap3A_30, %swap3A_31] : memref<1024x128xf32, #tpu.memory_space<vmem>>, vector<1024x128xf32>
    tpu.vector_store %arg7[%swap3A_30, %swap3A_31], %mul3A_29 {strides = array<i32>} : memref<1024x128xf32, #tpu.memory_space<vmem>>, vector<1024x128xf32>,
    return
  }
  func.func @transform_0(%arg0: i32) -> (i32, i32) {
    %c0_i32 = arith.constant 0 : i32
    %c0_i32_0 = arith.constant 0 : i32
    return %arg0, %c0_i32 : i32, i32
  }
  func.func @transform_1(%arg0: i32) -> (i32, i32) {
    %c0_i32 = arith.constant 0 : i32
    %c0_i32_0 = arith.constant 0 : i32
    %c0_i32_1 = arith.constant 0 : i32
    return %c0_i32, %c0_i32_0 : i32, i32
  }
  func.func @transform_2(%arg0: i32) -> (i32, i32) {
    %c0_i32 = arith.constant 0 : i32
    %c0_i32_0 = arith.constant 0 : i32
    %c0_i32_1 = arith.constant 0 : i32
    return %c0_i32, %c0_i32_0 : i32, i32
  }
  func.func @transform_3(%arg0: i32) -> (i32, i32) {
    %c0_i32 = arith.constant 0 : i32
    %c0_i32_0 = arith.constant 0 : i32
    %c0_i32_1 = arith.constant 0 : i32
    return %c0_i32, %c0_i32_0 : i32, i32
  }
  func.func @transform_4(%arg0: i32) -> (i32, i32) {
    %c0_i32 = arith.constant 0 : i32
    %c0_i32_0 = arith.constant 0 : i32
    return %c0_i32, %arg0 : i32, i32
  }
  func.func @transform_5(%arg0: i32) -> (i32, i32) {
    %c0_i32 = arith.constant 0 : i32
    %c0_i32_0 = arith.constant 0 : i32
    return %arg0, %c0_i32 : i32, i32
  }
  func.func @transform_6(%arg0: i32) -> (i32, i32) {
    %c0_i32 = arith.constant 0 : i32
    %c0_i32_0 = arith.constant 0 : i32
    return %arg0, %c0_i32 : i32, i32
  }
  func.func @transform_7(%arg0: i32) -> (i32, i32) {
    %c0_i32 = arith.constant 0 : i32
    %c0_i32_0 = arith.constant 0 : i32
    return %arg0, %c0_i32 : i32, i32
  }
}

module attributes {stable_mosaic.version = 14 : i64} {
  func.func @_mid_body(%arg0: i32, %arg1: memref<1000x128xf32, #tpu.memory_space<vmem>>, %arg2: memref<1000x128xf32, #tpu.memory_space<vmem>>, %arg3: memref<1x1000x128xf32, #tpu.memory_space<vmem>>, %arg4: memref<1x1000x128xf32, #tpu.memory_space<vmem>>, %arg5: memref<1000x1xf32, #tpu.memory_space<vmem>>, %arg6: memref<1x128xf32, #tpu.memory_space<vmem>>, %arg7: memref<1x128xf32, #tpu.memory_space<vmem>>, %arg8: memref<1x128xf32, #tpu.memory_space<vmem>>, %arg9: memref<128x128xf32, #tpu.memory_space<vmem>>, %arg10: memref<1000x128xf32, #tpu.memory_space<vmem>>, %arg11: memref<1000x128xf32, #tpu.memory_space<vmem>>) attributes {dimension_semantics = [#tpu.dimension_semantics<arbitrary>], iteration_bounds = array<i64: 10>, scalar_prefetch = 0 : i64, scratch_operands = 0 : i64, tpu.core_type = #tpu.core_type<tc>, window_params = [{transform_indices = @transform_0, window_bounds = array<i64: 1000, 128>}, {transform_indices = @transform_1, window_bounds = array<i64: 1000, 128>}, {transform_indices = @transform_2, window_bounds = array<i64: 1, 1000, 128>}, {transform_indices = @transform_3, window_bounds = array<i64: 1, 1000, 128>}, {transform_indices = @transform_4, window_bounds = array<i64: 1000, 1>}, {pipeline_mode = #tpu.pipeline_mode<synchronous>, transform_indices = @transform_5, window_bounds = array<i64: 1, 128>}, {pipeline_mode = #tpu.pipeline_mode<synchronous>, transform_indices = @transform_6, window_bounds = array<i64: 1, 128>}, {pipeline_mode = #tpu.pipeline_mode<synchronous>, transform_indices = @transform_7, window_bounds = array<i64: 1, 128>}, {pipeline_mode = #tpu.pipeline_mode<synchronous>, transform_indices = @transform_8, window_bounds = array<i64: 128, 128>}, {transform_indices = @transform_9, window_bounds = array<i64: 1000, 128>}, {transform_indices = @transform_10, window_bounds = array<i64: 1000, 128>}]} {
    %get3A = arith.constant 0 : index
    %get3A_0 = arith.constant 0 : index
    %get3A_1 = vector.load %arg5[%get3A, %get3A_0] : memref<1000x1xf32, #tpu.memory_space<vmem>>, vector<1000x1xf32>
    %get3A_2 = arith.constant 0 : index
    %get3A_3 = arith.constant 0 : index
    %get3A_4 = arith.constant 0 : index
    %get3A_5 = vector.load %arg3[%get3A_2, %get3A_3, %get3A_4] : memref<1x1000x128xf32, #tpu.memory_space<vmem>>, vector<1x1000x128xf32>
    %get3A_6 = vector.shape_cast %get3A_5 : vector<1x1000x128xf32> to vector<1000x128xf32>
    %get3A_7 = arith.constant 0 : index
    %get3A_8 = arith.constant 0 : index
    %get3A_9 = arith.constant 0 : index
    %get3A_10 = vector.load %arg4[%get3A_7, %get3A_8, %get3A_9] : memref<1x1000x128xf32, #tpu.memory_space<vmem>>, vector<1x1000x128xf32>
    %get3A_11 = vector.shape_cast %get3A_10 : vector<1x1000x128xf32> to vector<1000x128xf32>
    %add3A = arith.addf %get3A_6, %get3A_11 : vector<1000x128xf32>
    %get3A_12 = arith.constant 0 : index
    %get3A_13 = arith.constant 0 : index
    %get3A_14 = vector.load %arg2[%get3A_12, %get3A_13] : memref<1000x128xf32, #tpu.memory_space<vmem>>, vector<1000x128xf32>
    %add3A_15 = arith.addf %add3A, %get3A_14 : vector<1000x128xf32>
    %mul3A = vector.broadcast %get3A_1 : vector<1000x1xf32> to vector<1000x128xf32>
    %mul3A_16 = arith.mulf %mul3A, %add3A_15 : vector<1000x128xf32>
    %get3A_17 = arith.constant 0 : index
    %get3A_18 = arith.constant 0 : index
    %get3A_19 = vector.load %arg6[%get3A_17, %get3A_18] : memref<1x128xf32, #tpu.memory_space<vmem>>, vector<1x128xf32>
    %add3A_20 = vector.broadcast %get3A_19 : vector<1x128xf32> to vector<1000x128xf32>
    %add3A_21 = arith.addf %mul3A_16, %add3A_20 : vector<1000x128xf32>
    %reduce_sum3A = arith.constant dense<0.000000e+00> : vector<1000xf32>
    %reduce_sum3A_22 = vector.multi_reduction <add>, %add3A_21, %reduce_sum3A [1] : vector<1000x128xf32> to vector<1000xf32>
    %broadcast_in_dim3A = vector.shape_cast %reduce_sum3A_22 : vector<1000xf32> to vector<1000x1xf32>
    %div3A = arith.constant 1.280000e+02 : f32
    %div3A_23 = vector.broadcast %div3A : f32 to vector<1000x1xf32>
    %div3A_24 = arith.divf %broadcast_in_dim3A, %div3A_23 : vector<1000x1xf32>
    %sub3A = vector.broadcast %div3A_24 : vector<1000x1xf32> to vector<1000x128xf32>
    %sub3A_25 = arith.subf %add3A_21, %sub3A : vector<1000x128xf32>
    %mul3A_26 = arith.mulf %sub3A_25, %sub3A_25 : vector<1000x128xf32>
    %reduce_sum3A_27 = arith.constant dense<0.000000e+00> : vector<1000xf32>
    %reduce_sum3A_28 = vector.multi_reduction <add>, %mul3A_26, %reduce_sum3A_27 [1] : vector<1000x128xf32> to vector<1000xf32>
    %broadcast_in_dim3A_29 = vector.shape_cast %reduce_sum3A_28 : vector<1000xf32> to vector<1000x1xf32>
    %div3A_30 = arith.constant 1.280000e+02 : f32
    %div3A_31 = vector.broadcast %div3A_30 : f32 to vector<1000x1xf32>
    %div3A_32 = arith.divf %broadcast_in_dim3A_29, %div3A_31 : vector<1000x1xf32>
    %add3A_33 = arith.constant 9.99999974E-6 : f32
    %add3A_34 = vector.broadcast %add3A_33 : f32 to vector<1000x1xf32>
    %add3A_35 = arith.addf %div3A_32, %add3A_34 : vector<1000x1xf32>
    %rsqrt3A = math.rsqrt %add3A_35 : vector<1000x1xf32>
    %mul3A_36 = vector.broadcast %rsqrt3A : vector<1000x1xf32> to vector<1000x128xf32>
    %mul3A_37 = arith.mulf %sub3A_25, %mul3A_36 : vector<1000x128xf32>
    %get3A_38 = arith.constant 0 : index
    %get3A_39 = arith.constant 0 : index
    %get3A_40 = vector.load %arg7[%get3A_38, %get3A_39] : memref<1x128xf32, #tpu.memory_space<vmem>>, vector<1x128xf32>
    %mul3A_41 = vector.broadcast %get3A_40 : vector<1x128xf32> to vector<1000x128xf32>
    %mul3A_42 = arith.mulf %mul3A_37, %mul3A_41 : vector<1000x128xf32>
    %get3A_43 = arith.constant 0 : index
    %get3A_44 = arith.constant 0 : index
    %get3A_45 = vector.load %arg8[%get3A_43, %get3A_44] : memref<1x128xf32, #tpu.memory_space<vmem>>, vector<1x128xf32>
    %add3A_46 = vector.broadcast %get3A_45 : vector<1x128xf32> to vector<1000x128xf32>
    %add3A_47 = arith.addf %mul3A_42, %add3A_46 : vector<1000x128xf32>
    %get3A_48 = arith.constant 0 : index
    %get3A_49 = arith.constant 0 : index
    %get3A_50 = vector.load %arg1[%get3A_48, %get3A_49] : memref<1000x128xf32, #tpu.memory_space<vmem>>, vector<1000x128xf32>
    %max3A = arith.constant 0.000000e+00 : f32
    %max3A_51 = vector.broadcast %max3A : f32 to vector<1000x128xf32>
    %max3A_52 = arith.maximumf %add3A_47, %max3A_51 : vector<1000x128xf32>
    %add3A_53 = arith.addf %get3A_50, %max3A_52 : vector<1000x128xf32>
    %swap3A = arith.constant 0 : index
    %swap3A_54 = arith.constant 0 : index
    %swap3A_55 = vector.load %arg10[%swap3A, %swap3A_54] : memref<1000x128xf32, #tpu.memory_space<vmem>>, vector<1000x128xf32>
    tpu.vector_store %arg10[%swap3A, %swap3A_54], %add3A_53 {strides = array<i32>} : memref<1000x128xf32, #tpu.memory_space<vmem>>, vector<1000x128xf32>,
    %get3A_56 = arith.constant 0 : index
    %get3A_57 = arith.constant 0 : index
    %get3A_58 = vector.load %arg9[%get3A_56, %get3A_57] : memref<128x128xf32, #tpu.memory_space<vmem>>, vector<128x128xf32>
    %dot_general3A = arith.constant dense<0.000000e+00> : vector<1000x128xf32>
    %dot_general3A_59 = tpu.matmul %add3A_53, %get3A_58, %dot_general3A {dimension_numbers = #tpu.dot_dimension_numbers<[1], [1], [0], [0], [0, 0, 1, 0], [], []>, transpose_lhs_hint = false} : vector<1000x128xf32>, vector<128x128xf32>, vector<1000x128xf32> -> vector<1000x128xf32>
    %mul3A_60 = vector.broadcast %get3A_1 : vector<1000x1xf32> to vector<1000x128xf32>
    %mul3A_61 = arith.mulf %dot_general3A_59, %mul3A_60 : vector<1000x128xf32>
    %swap3A_62 = arith.constant 0 : index
    %swap3A_63 = arith.constant 0 : index
    %swap3A_64 = vector.load %arg11[%swap3A_62, %swap3A_63] : memref<1000x128xf32, #tpu.memory_space<vmem>>, vector<1000x128xf32>
    tpu.vector_store %arg11[%swap3A_62, %swap3A_63], %mul3A_61 {strides = array<i32>} : memref<1000x128xf32, #tpu.memory_space<vmem>>, vector<1000x128xf32>,
    return
  }
  func.func @transform_0(%arg0: i32) -> (i32, i32) {
    %c0_i32 = arith.constant 0 : i32
    %c0_i32_0 = arith.constant 0 : i32
    return %arg0, %c0_i32 : i32, i32
  }
  func.func @transform_1(%arg0: i32) -> (i32, i32) {
    %c0_i32 = arith.constant 0 : i32
    %c0_i32_0 = arith.constant 0 : i32
    return %arg0, %c0_i32 : i32, i32
  }
  func.func @transform_2(%arg0: i32) -> (i32, i32, i32) {
    %c0_i32 = arith.constant 0 : i32
    %c0_i32_0 = arith.constant 0 : i32
    %c0_i32_1 = arith.constant 0 : i32
    return %c0_i32, %arg0, %c0_i32_0 : i32, i32, i32
  }
  func.func @transform_3(%arg0: i32) -> (i32, i32, i32) {
    %c1_i32 = arith.constant 1 : i32
    %c0_i32 = arith.constant 0 : i32
    %c0_i32_0 = arith.constant 0 : i32
    return %c1_i32, %arg0, %c0_i32 : i32, i32, i32
  }
  func.func @transform_4(%arg0: i32) -> (i32, i32) {
    %c0_i32 = arith.constant 0 : i32
    %c0_i32_0 = arith.constant 0 : i32
    return %arg0, %c0_i32 : i32, i32
  }
  func.func @transform_5(%arg0: i32) -> (i32, i32) {
    %c0_i32 = arith.constant 0 : i32
    %c0_i32_0 = arith.constant 0 : i32
    %c0_i32_1 = arith.constant 0 : i32
    return %c0_i32, %c0_i32_0 : i32, i32
  }
  func.func @transform_6(%arg0: i32) -> (i32, i32) {
    %c0_i32 = arith.constant 0 : i32
    %c0_i32_0 = arith.constant 0 : i32
    %c0_i32_1 = arith.constant 0 : i32
    return %c0_i32, %c0_i32_0 : i32, i32
  }
  func.func @transform_7(%arg0: i32) -> (i32, i32) {
    %c0_i32 = arith.constant 0 : i32
    %c0_i32_0 = arith.constant 0 : i32
    %c0_i32_1 = arith.constant 0 : i32
    return %c0_i32, %c0_i32_0 : i32, i32
  }
  func.func @transform_8(%arg0: i32) -> (i32, i32) {
    %c0_i32 = arith.constant 0 : i32
    %c0_i32_0 = arith.constant 0 : i32
    %c0_i32_1 = arith.constant 0 : i32
    return %c0_i32, %c0_i32_0 : i32, i32
  }
  func.func @transform_9(%arg0: i32) -> (i32, i32) {
    %c0_i32 = arith.constant 0 : i32
    %c0_i32_0 = arith.constant 0 : i32
    return %arg0, %c0_i32 : i32, i32
  }
  func.func @transform_10(%arg0: i32) -> (i32, i32) {
    %c0_i32 = arith.constant 0 : i32
    %c0_i32_0 = arith.constant 0 : i32
    return %arg0, %c0_i32 : i32, i32
  }
}

module attributes {stable_mosaic.version = 14 : i64} {
  func.func @_out_body(%arg0: i32, %arg1: memref<1000x128xf32, #tpu.memory_space<vmem>>, %arg2: memref<1000x128xf32, #tpu.memory_space<vmem>>, %arg3: memref<1x1000x128xf32, #tpu.memory_space<vmem>>, %arg4: memref<1x1000x128xf32, #tpu.memory_space<vmem>>, %arg5: memref<1000x1xf32, #tpu.memory_space<vmem>>, %arg6: memref<1x128xf32, #tpu.memory_space<vmem>>, %arg7: memref<1x128xf32, #tpu.memory_space<vmem>>, %arg8: memref<1x128xf32, #tpu.memory_space<vmem>>, %arg9: memref<128x128xf32, #tpu.memory_space<vmem>>, %arg10: memref<1x128xf32, #tpu.memory_space<vmem>>, %arg11: memref<1000x128xf32, #tpu.memory_space<vmem>>) attributes {dimension_semantics = [#tpu.dimension_semantics<arbitrary>], iteration_bounds = array<i64: 10>, scalar_prefetch = 0 : i64, scratch_operands = 0 : i64, tpu.core_type = #tpu.core_type<tc>, window_params = [{transform_indices = @transform_0, window_bounds = array<i64: 1000, 128>}, {transform_indices = @transform_1, window_bounds = array<i64: 1000, 128>}, {transform_indices = @transform_2, window_bounds = array<i64: 1, 1000, 128>}, {transform_indices = @transform_3, window_bounds = array<i64: 1, 1000, 128>}, {transform_indices = @transform_4, window_bounds = array<i64: 1000, 1>}, {pipeline_mode = #tpu.pipeline_mode<synchronous>, transform_indices = @transform_5, window_bounds = array<i64: 1, 128>}, {pipeline_mode = #tpu.pipeline_mode<synchronous>, transform_indices = @transform_6, window_bounds = array<i64: 1, 128>}, {pipeline_mode = #tpu.pipeline_mode<synchronous>, transform_indices = @transform_7, window_bounds = array<i64: 1, 128>}, {pipeline_mode = #tpu.pipeline_mode<synchronous>, transform_indices = @transform_8, window_bounds = array<i64: 128, 128>}, {pipeline_mode = #tpu.pipeline_mode<synchronous>, transform_indices = @transform_9, window_bounds = array<i64: 1, 128>}, {transform_indices = @transform_10, window_bounds = array<i64: 1000, 128>}]} {
    %get3A = arith.constant 0 : index
    %get3A_0 = arith.constant 0 : index
    %get3A_1 = vector.load %arg5[%get3A, %get3A_0] : memref<1000x1xf32, #tpu.memory_space<vmem>>, vector<1000x1xf32>
    %get3A_2 = arith.constant 0 : index
    %get3A_3 = arith.constant 0 : index
    %get3A_4 = arith.constant 0 : index
    %get3A_5 = vector.load %arg3[%get3A_2, %get3A_3, %get3A_4] : memref<1x1000x128xf32, #tpu.memory_space<vmem>>, vector<1x1000x128xf32>
    %get3A_6 = vector.shape_cast %get3A_5 : vector<1x1000x128xf32> to vector<1000x128xf32>
    %get3A_7 = arith.constant 0 : index
    %get3A_8 = arith.constant 0 : index
    %get3A_9 = arith.constant 0 : index
    %get3A_10 = vector.load %arg4[%get3A_7, %get3A_8, %get3A_9] : memref<1x1000x128xf32, #tpu.memory_space<vmem>>, vector<1x1000x128xf32>
    %get3A_11 = vector.shape_cast %get3A_10 : vector<1x1000x128xf32> to vector<1000x128xf32>
    %add3A = arith.addf %get3A_6, %get3A_11 : vector<1000x128xf32>
    %get3A_12 = arith.constant 0 : index
    %get3A_13 = arith.constant 0 : index
    %get3A_14 = vector.load %arg2[%get3A_12, %get3A_13] : memref<1000x128xf32, #tpu.memory_space<vmem>>, vector<1000x128xf32>
    %add3A_15 = arith.addf %add3A, %get3A_14 : vector<1000x128xf32>
    %mul3A = vector.broadcast %get3A_1 : vector<1000x1xf32> to vector<1000x128xf32>
    %mul3A_16 = arith.mulf %mul3A, %add3A_15 : vector<1000x128xf32>
    %get3A_17 = arith.constant 0 : index
    %get3A_18 = arith.constant 0 : index
    %get3A_19 = vector.load %arg6[%get3A_17, %get3A_18] : memref<1x128xf32, #tpu.memory_space<vmem>>, vector<1x128xf32>
    %add3A_20 = vector.broadcast %get3A_19 : vector<1x128xf32> to vector<1000x128xf32>
    %add3A_21 = arith.addf %mul3A_16, %add3A_20 : vector<1000x128xf32>
    %reduce_sum3A = arith.constant dense<0.000000e+00> : vector<1000xf32>
    %reduce_sum3A_22 = vector.multi_reduction <add>, %add3A_21, %reduce_sum3A [1] : vector<1000x128xf32> to vector<1000xf32>
    %broadcast_in_dim3A = vector.shape_cast %reduce_sum3A_22 : vector<1000xf32> to vector<1000x1xf32>
    %div3A = arith.constant 1.280000e+02 : f32
    %div3A_23 = vector.broadcast %div3A : f32 to vector<1000x1xf32>
    %div3A_24 = arith.divf %broadcast_in_dim3A, %div3A_23 : vector<1000x1xf32>
    %sub3A = vector.broadcast %div3A_24 : vector<1000x1xf32> to vector<1000x128xf32>
    %sub3A_25 = arith.subf %add3A_21, %sub3A : vector<1000x128xf32>
    %mul3A_26 = arith.mulf %sub3A_25, %sub3A_25 : vector<1000x128xf32>
    %reduce_sum3A_27 = arith.constant dense<0.000000e+00> : vector<1000xf32>
    %reduce_sum3A_28 = vector.multi_reduction <add>, %mul3A_26, %reduce_sum3A_27 [1] : vector<1000x128xf32> to vector<1000xf32>
    %broadcast_in_dim3A_29 = vector.shape_cast %reduce_sum3A_28 : vector<1000xf32> to vector<1000x1xf32>
    %div3A_30 = arith.constant 1.280000e+02 : f32
    %div3A_31 = vector.broadcast %div3A_30 : f32 to vector<1000x1xf32>
    %div3A_32 = arith.divf %broadcast_in_dim3A_29, %div3A_31 : vector<1000x1xf32>
    %add3A_33 = arith.constant 9.99999974E-6 : f32
    %add3A_34 = vector.broadcast %add3A_33 : f32 to vector<1000x1xf32>
    %add3A_35 = arith.addf %div3A_32, %add3A_34 : vector<1000x1xf32>
    %rsqrt3A = math.rsqrt %add3A_35 : vector<1000x1xf32>
    %mul3A_36 = vector.broadcast %rsqrt3A : vector<1000x1xf32> to vector<1000x128xf32>
    %mul3A_37 = arith.mulf %sub3A_25, %mul3A_36 : vector<1000x128xf32>
    %get3A_38 = arith.constant 0 : index
    %get3A_39 = arith.constant 0 : index
    %get3A_40 = vector.load %arg7[%get3A_38, %get3A_39] : memref<1x128xf32, #tpu.memory_space<vmem>>, vector<1x128xf32>
    %mul3A_41 = vector.broadcast %get3A_40 : vector<1x128xf32> to vector<1000x128xf32>
    %mul3A_42 = arith.mulf %mul3A_37, %mul3A_41 : vector<1000x128xf32>
    %get3A_43 = arith.constant 0 : index
    %get3A_44 = arith.constant 0 : index
    %get3A_45 = vector.load %arg8[%get3A_43, %get3A_44] : memref<1x128xf32, #tpu.memory_space<vmem>>, vector<1x128xf32>
    %add3A_46 = vector.broadcast %get3A_45 : vector<1x128xf32> to vector<1000x128xf32>
    %add3A_47 = arith.addf %mul3A_42, %add3A_46 : vector<1000x128xf32>
    %get3A_48 = arith.constant 0 : index
    %get3A_49 = arith.constant 0 : index
    %get3A_50 = vector.load %arg1[%get3A_48, %get3A_49] : memref<1000x128xf32, #tpu.memory_space<vmem>>, vector<1000x128xf32>
    %max3A = arith.constant 0.000000e+00 : f32
    %max3A_51 = vector.broadcast %max3A : f32 to vector<1000x128xf32>
    %max3A_52 = arith.maximumf %add3A_47, %max3A_51 : vector<1000x128xf32>
    %add3A_53 = arith.addf %get3A_50, %max3A_52 : vector<1000x128xf32>
    %get3A_54 = arith.constant 0 : index
    %get3A_55 = arith.constant 0 : index
    %get3A_56 = vector.load %arg9[%get3A_54, %get3A_55] : memref<128x128xf32, #tpu.memory_space<vmem>>, vector<128x128xf32>
    %dot_general3A = arith.constant dense<0.000000e+00> : vector<1000x128xf32>
    %dot_general3A_57 = tpu.matmul %add3A_53, %get3A_56, %dot_general3A {dimension_numbers = #tpu.dot_dimension_numbers<[1], [1], [0], [0], [0, 0, 1, 0], [], []>, transpose_lhs_hint = false} : vector<1000x128xf32>, vector<128x128xf32>, vector<1000x128xf32> -> vector<1000x128xf32>
    %get3A_58 = arith.constant 0 : index
    %get3A_59 = arith.constant 0 : index
    %get3A_60 = vector.load %arg10[%get3A_58, %get3A_59] : memref<1x128xf32, #tpu.memory_space<vmem>>, vector<1x128xf32>
    %add3A_61 = vector.broadcast %get3A_60 : vector<1x128xf32> to vector<1000x128xf32>
    %add3A_62 = arith.addf %dot_general3A_57, %add3A_61 : vector<1000x128xf32>
    %swap3A = arith.constant 0 : index
    %swap3A_63 = arith.constant 0 : index
    %swap3A_64 = vector.load %arg11[%swap3A, %swap3A_63] : memref<1000x128xf32, #tpu.memory_space<vmem>>, vector<1000x128xf32>
    tpu.vector_store %arg11[%swap3A, %swap3A_63], %add3A_62 {strides = array<i32>} : memref<1000x128xf32, #tpu.memory_space<vmem>>, vector<1000x128xf32>,
    return
  }
  func.func @transform_0(%arg0: i32) -> (i32, i32) {
    %c0_i32 = arith.constant 0 : i32
    %c0_i32_0 = arith.constant 0 : i32
    return %arg0, %c0_i32 : i32, i32
  }
  func.func @transform_1(%arg0: i32) -> (i32, i32) {
    %c0_i32 = arith.constant 0 : i32
    %c0_i32_0 = arith.constant 0 : i32
    return %arg0, %c0_i32 : i32, i32
  }
  func.func @transform_2(%arg0: i32) -> (i32, i32, i32) {
    %c0_i32 = arith.constant 0 : i32
    %c0_i32_0 = arith.constant 0 : i32
    %c0_i32_1 = arith.constant 0 : i32
    return %c0_i32, %arg0, %c0_i32_0 : i32, i32, i32
  }
  func.func @transform_3(%arg0: i32) -> (i32, i32, i32) {
    %c1_i32 = arith.constant 1 : i32
    %c0_i32 = arith.constant 0 : i32
    %c0_i32_0 = arith.constant 0 : i32
    return %c1_i32, %arg0, %c0_i32 : i32, i32, i32
  }
  func.func @transform_4(%arg0: i32) -> (i32, i32) {
    %c0_i32 = arith.constant 0 : i32
    %c0_i32_0 = arith.constant 0 : i32
    return %arg0, %c0_i32 : i32, i32
  }
  func.func @transform_5(%arg0: i32) -> (i32, i32) {
    %c0_i32 = arith.constant 0 : i32
    %c0_i32_0 = arith.constant 0 : i32
    %c0_i32_1 = arith.constant 0 : i32
    return %c0_i32, %c0_i32_0 : i32, i32
  }
  func.func @transform_6(%arg0: i32) -> (i32, i32) {
    %c0_i32 = arith.constant 0 : i32
    %c0_i32_0 = arith.constant 0 : i32
    %c0_i32_1 = arith.constant 0 : i32
    return %c0_i32, %c0_i32_0 : i32, i32
  }
  func.func @transform_7(%arg0: i32) -> (i32, i32) {
    %c0_i32 = arith.constant 0 : i32
    %c0_i32_0 = arith.constant 0 : i32
    %c0_i32_1 = arith.constant 0 : i32
    return %c0_i32, %c0_i32_0 : i32, i32
  }
  func.func @transform_8(%arg0: i32) -> (i32, i32) {
    %c0_i32 = arith.constant 0 : i32
    %c0_i32_0 = arith.constant 0 : i32
    %c0_i32_1 = arith.constant 0 : i32
    return %c0_i32, %c0_i32_0 : i32, i32
  }
  func.func @transform_9(%arg0: i32) -> (i32, i32) {
    %c0_i32 = arith.constant 0 : i32
    %c0_i32_0 = arith.constant 0 : i32
    %c0_i32_1 = arith.constant 0 : i32
    return %c0_i32, %c0_i32_0 : i32, i32
  }
  func.func @transform_10(%arg0: i32) -> (i32, i32) {
    %c0_i32 = arith.constant 0 : i32
    %c0_i32_0 = arith.constant 0 : i32
    return %arg0, %c0_i32 : i32, i32
  }
}

</mosaic_0001>

<sc_bundles>
// kernel: kernel.11.cloned.1.call-start
scs
__scs_entry_jumppad:
0x0: {  	(pc) =	sbr.rel $0x88, $3  }
0x1: {  	(tag) =	ssettag $0x0;
	lr =	simm.s32 $0x1  }
0x2: {  	[smem:$0x3F93] =	sst lr;
	_ =	strace $0xD0000000  }
0x3: {  	_ = 	snop  }
0x4: {  	_ = 	snop  }
0x5: {  	_ = 	snop  }
0x6: {  	_ = 	snop  }
0x7: {  	_ = 	snop  }
__scs_overlays_trampoline_lowered:
0x8: {  	[smem:$0x3FA2] =	sst s0  }
0x9: {  	[smem:$0x3FA3] =	sst s1  }
0xa: {  	[smem:$0x3FA4] =	sst s2  }
0xb: {  	[smem:$0x3FA5] =	sst s3  }
0xc: {  	[smem:$0x3FA6] =	sst s4  }
0xd: {  	[smem:$0x3FA7] =	sst s5  }
0xe: {  	[smem:$0x3FA8] =	sst s6  }
0xf: {  	[smem:$0x3FA9] =	sst s7  }
0x10: {  	[smem:$0x3FAA] =	sst s8  }
0x11: {  	[smem:$0x3FAB] =	sst s9;
	s0 =	simm.s32 @!p0 $0x0  }
0x12: {  	s1 =	sld [smem:$0x3F91];
	s0 =	simm.s32 @p0 $0x1  }
0x13: {  	[smem:$0x3FAC] =	sst s0;
	s0 =	simm.s32 @!p1 $0x0  }
0x14: {  	s2 =	sld [smem:$0x3F90];
	s0 =	simm.s32 @p1 $0x1  }
0x15: {  	[smem:$0x3FAD] =	sst s0;
	s0 =	simm.s32 @!p2 $0x0  }
0x16: {  	s3 =	sld [smem:$0x3FDB];
	s0 =	simm.s32 @p2 $0x1  }
0x17: {  	s4 =	simm.s32 $0x1BF5;
	[smem:$0x3FAF] =	sst s0  }
0x18: {  	s0 =	sld [smem:$0x3F92];
	_ =	swait.ge [sflag:s4], $0x0  }
0x19: {  	s7 =	sld [smem:$0x3F93]  }
0x1a: {  	s8 =	sadd.s32 $0xFFFFE003, lr  }
0x1b: {  	s9 =	sadd.s32 $0xFFFFFEF7, lr;
	s5 =	simm.s32 $0xFFFFFFFF;
	p2 =	slt.u32 s8, $0xFFFFF086  }
0x1c: {  	p1 =	slt.u32 s9, $0xF7A;
	s5 =	simm.s32 @!p2 $0x0  }
0x1d: {  	s5 =	simm.s32 @p1 $0x1;
	p0 =	seq.s32 s7, s2  }
0x1e: {  	s7 =	smul.u32 @!p0 $0xF7A, s2;
	p2 =	seq.s32 @!p0 s5, $0x0  }
0x1f: {  	s9 =	smul.u32 $0xF7A, s1;
	s8 =	simm.s32 @!p0 $0x1BF5;
	p2 =	por !p2, p0  }
0x20: {  	[sflag:s8] =	ssyncset.s32 @!p0 $0xFFFFF086;
	s6 =	sadd.s32 @!p0 s3, s7;
	s7 =	simm.s32 @!p0 $0x108  }
0x21: {  	s3 =	sadd.s32 s3, s9;
	s6 =	sadd.s32 @!p0 $0x88, s6;
	s7 =	simm.s32 @p2 $0x1082  }
0x22: {  	[simem:s7], [sflag:s8] =	dma.local @!p0 [hbm:s6], $0xF7A  }
0x23: {  	s9 =	sor.u32 $0xD0000000, s2;
	s6 =	simm.s32 $0x108;
	_ =	swait.ge @!p0 [sflag:s8], $0x0  }
0x24: {  	s3 =	sadd.s32 $0x88, s3;
	s6 =	simm.s32 @!p1 $0x1082;
	[sflag:s4] =	ssyncset.s32 $0xFFFFF086  }
0x25: {  	[simem:s6], [sflag:s4] =	dma.local [hbm:s3], $0xF7A  }
0x26: {  	[smem:$0x3F93] =	sst s1;
	(tag) =	ssettag s2;
	_ =	strace s9  }
0x27: {  	s1 =	sld [smem:$0x3FA3]  }
0x28: {  	s2 =	sld [smem:$0x3FA4]  }
0x29: {  	s4 =	sld [smem:$0x3FA6]  }
0x2a: {  	p0 =	seq.s32 s5, $0x0;
	s5 =	sld [smem:$0x3FA7]  }
0x2b: {  	s6 =	sld [smem:$0x3FA8]  }
0x2c: {  	s7 =	sld [smem:$0x3FA9]  }
0x2d: {  	s3 =	simm.s32 $0x108;
	s8 =	sld [smem:$0x3FAA]  }
0x2e: {  	s3 =	simm.s32 @!p0 $0x1082;
	s9 =	sld [smem:$0x3FAB]  }
0x2f: {  	lr =	sadd.s32 s0, s3;
	s0 =	sld [smem:$0x3FA2]  }
0x30: {  	s3 =	sld [smem:$0x3FA5]  }
0x31: {  	[smem:$0x3FAE] =	sst s10  }
0x32: {  	s10 =	sld [smem:$0x3FAC];
	_ =	sdelay $0x3  }
0x33: {  	p0 =	seq.s32 s10, $0x1;
	s10 =	sld [smem:$0x3FAE];
	_ =	sdelay $0x3  }
0x34: {  	[smem:$0x3FAE] =	sst s10  }
0x35: {  	s10 =	sld [smem:$0x3FAD];
	_ =	sdelay $0x3  }
0x36: {  	p1 =	seq.s32 s10, $0x1;
	s10 =	sld [smem:$0x3FAE];
	_ =	sdelay $0x3  }
0x37: {  	[smem:$0x3FAE] =	sst s10  }
0x38: {  	s10 =	sld [smem:$0x3FAF]  }
0x39: {  	_ = 	snop;
	(pc) =	sbr.ind lr, $3  }
0x3a: {  	_ = 	snop  }
0x3b: {  	_ = 	snop  }
0x3c: {  	p2 =	seq.s32 s10, $0x1;
	s10 =	sld [smem:$0x3FAE]  }
0x3d: {  	_ =	shalt  }
0x3e: {  	_ =	shalt  }
0x3f: {  	_ =	shalt  }
0x40: {  	_ =	shalt  }
0x41: {  	_ =	shalt  }
0x42: {  	_ =	shalt  }
0x43: {  	_ =	shalt  }
0x44: {  	_ =	shalt  }
0x45: {  	_ =	shalt  }
0x46: {  	_ =	shalt  }
0x47: {  	_ =	shalt  }
0x48: {  	_ =	shalt  }
0x49: {  	_ =	shalt  }
0x4a: {  	_ =	shalt  }
0x4b: {  	_ =	shalt  }
0x4c: {  	_ =	shalt  }
0x4d: {  	_ =	shalt  }
0x4e: {  	_ =	shalt  }
0x4f: {  	_ =	shalt  }
0x50: {  	_ =	shalt  }
0x51: {  	_ =	shalt  }
0x52: {  	_ =	shalt  }
0x53: {  	_ =	shalt  }
0x54: {  	_ =	shalt  }
0x55: {  	_ =	shalt  }
0x56: {  	_ =	shalt  }
0x57: {  	_ =	shalt  }
0x58: {  	_ =	shalt  }
0x59: {  	_ =	shalt  }
0x5a: {  	_ =	shalt  }
0x5b: {  	_ =	shalt  }
0x5c: {  	_ =	shalt  }
0x5d: {  	_ =	shalt  }
0x5e: {  	_ =	shalt  }
0x5f: {  	_ =	shalt  }
0x60: {  	_ =	shalt  }
0x61: {  	_ =	shalt  }
0x62: {  	_ =	shalt  }
0x63: {  	_ =	shalt  }
0x64: {  	_ =	shalt  }
0x65: {  	_ =	shalt  }
0x66: {  	_ =	shalt  }
0x67: {  	_ =	shalt  }
0x68: {  	_ =	shalt  }
0x69: {  	_ =	shalt  }
0x6a: {  	_ =	shalt  }
0x6b: {  	_ =	shalt  }
0x6c: {  	_ =	shalt  }
0x6d: {  	_ =	shalt  }
0x6e: {  	_ =	shalt  }
0x6f: {  	_ =	shalt  }
0x70: {  	_ =	shalt  }
0x71: {  	_ =	shalt  }
0x72: {  	_ =	shalt  }
0x73: {  	_ =	shalt  }
0x74: {  	_ =	shalt  }
0x75: {  	_ =	shalt  }
0x76: {  	_ =	shalt  }
0x77: {  	_ =	shalt  }
0x78: {  	_ =	shalt  }
0x79: {  	_ =	shalt  }
0x7a: {  	_ =	shalt  }
0x7b: {  	_ =	shalt  }
0x7c: {  	_ =	shalt  }
0x7d: {  	_ =	shalt  }
0x7e: {  	_ =	shalt  }
0x7f: {  	_ =	shalt  }
0x80: {  	_ =	shalt  }
0x81: {  	_ =	shalt  }
0x82: {  	_ =	shalt  }
0x83: {  	_ =	shalt  }
0x84: {  	_ =	shalt  }
0x85: {  	_ =	shalt  }
0x86: {  	_ =	shalt  }
0x87: {  	_ =	shalt  }
.Lfunc_end0:
.L_simem_size_0:
called_computation.1_lowered:
.L_overlay_start_0:
0x88: {  	s2 =	sld [smem:$0x3FD9]  }
0x89: {  	s3 =	sld [smem:$0x3FFE];
	_ =	sdelay $0x1  }
0x8a: {  	s1 =	srdreg.scid  }
0x8b: {  	s0 =	sand.u32 $0x1, s1  }
0x8c: {  	s17 =	sshll.u32 s0, $0xA;
	s2 =	sadd.s32 s3, s2  }
0x8d: {  	s2 =	sadd.s32 s2, s17  }
0x8e: {  	[smem:$0x3FBA] =	sst s2  }
0x8f: {  	_ = 	snop  }
0x90: {  	s2 =	sld [smem:$0x3FD0];
	(tm) =	ssettm $0x1  }
0x91: {  	s18 =	sld [smem:$0x3FFB];
	_ =	sdelay $0x3  }
0x92: {  	_ =	strace s18  }
0x93: {  	s3 =	sld [smem:$0x3FFC];
	_ =	sdelay $0x3  }
0x94: {  	_ =	strace s3  }
0x95: {  	s3 =	sld [smem:$0x3FFD];
	_ =	sdelay $0x3  }
0x96: {  	_ =	strace s3  }
0x97: {  	_ =	strace $0x8FFFFFFF  }
0x98: {  	s19 =	sld [smem:$0x3FDB];
	_ =	sdelay $0x1  }
0x99: {  	s4 =	simm.s32 $_scs_section_size  }
0x9a: {  	s5 =	simm.s32 $_size__tile_overlayer_lowered;
	s6 =	simm.s32 $_tile_overlayer_lowered  }
0x9b: {  	s22 =	simm.s32 $0x1BFF;
	s21 =	sshll.u32 s6, $0x1;
	s3 =	sadd.s32 s4, s19  }
0x9c: {  	s7 =	simm.s32 $0x0;
	s20 =	sshll.u32 s5, $0x1;
	s5 =	sadd.s32 s21, s3  }
0x9d: {  	[timem:s7], [sflag:s22] =	dma.local [hbm:s5], s20  }
0x9e: {  	_ =	swait.ge [sflag:s22], s20  }
0x9f: {  	s4 =	ssub.s32 $0x0, s20;
	[sflag:s22] =	ssyncset.done $0x0  }
0xa0: {  	[sflag:s22] =	ssyncadd.s32 s4;
	_ =	sdelay $0x1  }
0xa1: {  	s23 =	simm.s32 $0x1B8B  }
0xa2: {  	_ =	swait.ge [sflag:s23], $0x1  }
0xa3: {  	[sflag:s23] =	ssyncset.done $0x0  }
0xa4: {  	s25 =	simm.s32 $0x1B8E;
	s24 =	sld [smem:$0x3FFE];
	[sflag:s23] =	ssyncadd.s32 $0xFFFFFFFF  }
0xa5: {  	s26 =	simm.s32 $execute0_lowered;
	[smem:$0x3FD2] =	sst s25  }
0xa6: {  	s5 =	sshll.u32 s26, $0x1;
	_ =	strace $0x80000049;
	[dreg:$0x1] =	wrdreg $0xFFFFFFFF  }
0xa7: {  	s28 =	simm.s32 $_size_execute0_lowered;
	s3 =	sadd.s32 s3, s5;
	[dreg:$0x0] =	wrdreg $0x0  }
0xa8: {  	s5 =	sshll.u32 s28, $0x1;
	[dreg:$0x2] =	wrdreg s3  }
0xa9: {  	[dreg:$0x3] =	wrdreg s5  }
0xaa: {  	[dreg:$0x4] =	wrdreg $0xC0  }
0xab: {  	_ =	task [dreg:s7], $0x5FFFF  }
0xac: {  	[dreg:$0x1] =	wrdreg $0xFFFFFFFF  }
0xad: {  	[dreg:$0x0] =	wrdreg $0x60  }
0xae: {  	[dreg:$0x2] =	wrdreg s2  }
0xaf: {  	[dreg:$0x3] =	wrdreg s24  }
0xb0: {  	[dreg:$0x4] =	wrdreg $0x0  }
0xb1: {  	[dreg:$0x5] =	wrdreg $0x9  }
0xb2: {  	_ =	task.clear_ibuf [dreg:s7], $0x6FFFF;
	_ =	strace $0x90000049  }
0xb3: {  	s29 =	simm.s32 $0x9;
	_ =	strace $0x8000004B  }
0xb4: {  	_ =	swait.ge [sflag:s29], $0x1  }
0xb5: {  	[sflag:s29] =	ssyncadd.s32 $0xFFFFFFFF  }
0xb6: {  	_ =	strace $0x9000004B  }
0xb7: {  	_ =	sfence  }
0xb8: {  	s30 =	sld [smem:$0x0];
	_ =	sdelay $0x2  }
0xb9: {  	s31 =	sshll.u32 s1, $0xD;
	s1 =	sshrl.u32 s1, $0x2  }
0xba: {  	s3 =	sand.u32 $0x4000, s31;
	s1 =	sadd.s32 s1, s30  }
0xbb: {  	s0 =	sor.u32 s3, s0;
	s1 =	sshll.u32 s1, $0x11  }
0xbc: {  	s0 =	sor.u32 s1, s0  }
0xbd: {  	s0 =	sadd.s32 $0x8F2B, s0  }
0xbe: {  	[sflag:s0] =	ssyncadd.remote.s32 $0x1  }
0xbf: {  	_ =	sfence.sel $0xFFFF  }
0xc0: {  	[dreg:$0x0] =	wrdreg $0xFFFFFFFF;
	(pc) =	sbr.abs _section_cstart, $3  }
0xc1: {  	[dreg:$0x1] =	wrdreg $0xFFFFFFFF  }
0xc2: {  	_ =	task.clear_ibuf [dreg:s7], $0x2FFFF;
	_ =	strace $0x9FFFFFFF  }
0xc3: {  	(tm) =	ssettm $0x7FFFFFFF  }
tec
execute0_lowered:
.L_overlay_start_1:
0x0: {  	(tag) =	ssettag $0x1  }
0x1: {  	s2 =	rddreg [dreg:$0x0]  }
0x2: {  	s5 =	rddreg [dreg:$0x1]  }
0x3: {  	s3 =	rddreg [dreg:$0x2]  }
0x4: {  	s4 =	srdreg.scid;
	s0 =	stileid.u32  }
0x5: {  	s16 =	simm.s32 $0x13880;
	s18 =	simm.s32 $0x189C0;
	s19 =	simm.s32 $0x4  }
0x6: {  	s20 =	simm.s32 $0x3;
	s21 =	simm.s32 $0x64;
	s22 =	simm.s32 $0x1BBC0  }
0x7: {  	s23 =	simm.s32 $0x1;
	s24 =	simm.s32 $0x2;
	s25 =	simm.s32 $0x160B8  }
0x8: {  	s26 =	simm.s32 $0x188F0;
	s28 =	simm.s32 $0x18958;
	s7 =	smul.u32 $0x13880, s0  }
0x9: {  	s29 =	simm.s32 $0x0;
	s6 =	sand.u32 $0x1, s4;
	s10 =	smul.u32 $0x4E200, s0  }
0xa: {  	s4 =	simm.s32 $0x0;
	s8 =	sshll.u32 s6, $0x4;
	s9 =	smul.u32 $0x138800, s6  }
0xb: {  	[smem:$0x7FF] =	sst s4;
	s6 =	ssub.s32 $0x2, s6;
	s8 =	sor.u32 s0, s8  }
0xc: {  	_ =	strace $0x8000004A;
	s30 =	sshrl.u32 s6, $0x1;
	s31 =	sshrl.u32 s10, $0x2  }
0xd: {  	s8 =	smul.u32 $0x514, s8;
	s9 =	sadd.s32 s7, s9;
	s15 =	ssub.s32 s6, s30  }
0xe: {  	s7 =	sadd.s32 s7, s3;
	s13 =	sadd.s32 s31, s3;
	s9 =	sshrl.u32 s9, $0x3  }
0xf: {  	s10 =	sadd.s32 $0x9600, s13;
	s11 =	sadd.s32 $0xC800, s13;
	s12 =	sadd.s32 $0xFA00, s13  }
0x10: {  	s15 =	smax.u32 s15, $0x1;
	s8 =	sadd.s32 s8, s5;
	s14 =	sadd.s32 s9, s5  }
0x11: {  	s9 =	sadd.s32 $0x6400, s13;
	s5 =	sadd.s32 $0xE600, s8;
	s6 =	sadd.s32 $0x18A00, s8  }
0x12: {  	v0 =	vimm.f32 $0.0e+00;
	s8 =	sadd.s32 $0x3200, s13;
	s13 =	sadd.s32 $0x12C00, s13;
	s14 =	sadd.s32 $0x4A000, s14  }
.LBB2_1:
0x13: {  	[tilespmem:s16], [sflag:$0x3] =	stream.linear.gather [hbm4b:s5+s4], $0x28A0, $0x38;
	[tilespmem:$0x1EDC0] =	vst v63  }
0x14: {  	s0 =	simm.s32 $0x16120;
	s30 =	simm.s32 $0x70;
	s31 =	simm.s32 $0x3C0  }
0x15: {  	[tilespmem:s0], [sflag:$0x3] =	stream.linear.gather [hbm4b:s6+s4], $0x28A0, $0x38;
	[tilespmem:$0x1EDC0] =	vst v63  }
.LBB2_2:
0x16: {  	p0 =	sne.s32 s31, $0xC7C0;
	[tilespmem:s30+$0x189C0] =	vst v0  }
0x17: {  	[tilespmem:s30+$0x18950] =	vst v0  }
0x18: {  	[tilespmem:s30+$0x18960] =	vst v0  }
.Ltmp0:
0x19: {  	[tilespmem:s30+$0x18970] =	vst v0;
	(pc) =	sbr.rel @p0 .LBB2_2-.Ltmp0, $4  }
0x1a: {  	[tilespmem:s30+$0x18980] =	vst v0  }
0x1b: {  	[tilespmem:s30+$0x18990] =	vst v0  }
0x1c: {  	[tilespmem:s30+$0x189A0] =	vst v0  }
0x1d: {  	[tilespmem:s30+$0x189B0] =	vst v0;
	s30 =	sshra.s32 s31, $0x2;
	s31 =	sadd.s32 $0x200, s31  }
0x1e: {  	[tilespmem:s30+$0x189C0] =	vst v0  }
0x1f: {  	[tilespmem:s30+$0x18950] =	vst v0  }
0x20: {  	[tilespmem:s30+$0x18960] =	vst v0  }
0x21: {  	[tilespmem:s30+$0x18970] =	vst v0  }
0x22: {  	[tilespmem:s30+$0x18980] =	vst v0  }
0x23: {  	[tilespmem:s30+$0x18990] =	vst v0  }
0x24: {  	[tilespmem:s30+$0x189A0] =	vst v0  }
0x25: {  	[tilespmem:s30+$0x189B0] =	vst v0  }
0x26: {  	[spmem:s7] =	stream.linear.scatter [tilespmem:s18], [sflag:$0x4], $0x3200, $0x38;
	[tilespmem:$0x1EDC0] =	vst v63  }
0x27: {  	_ =	swait.ge [sflag:s19], $0x3200  }
0x28: {  	[sflag:s19] =	ssyncset.done $0x0  }
0x29: {  	[sflag:s19] =	ssyncadd.s32 $0xFFFFCE00  }
0x2a: {  	[spmem:s8] =	stream.linear.scatter [tilespmem:s18], [sflag:$0x4], $0x3200, $0x38;
	[tilespmem:$0x1EDC0] =	vst v63  }
0x2b: {  	_ =	swait.ge [sflag:s19], $0x3200  }
0x2c: {  	[sflag:s19] =	ssyncset.done $0x0  }
0x2d: {  	[sflag:s19] =	ssyncadd.s32 $0xFFFFCE00  }
0x2e: {  	[spmem:s9] =	stream.linear.scatter [tilespmem:s18], [sflag:$0x4], $0x3200, $0x38;
	[tilespmem:$0x1EDC0] =	vst v63  }
0x2f: {  	_ =	swait.ge [sflag:s19], $0x3200  }
0x30: {  	[sflag:s19] =	ssyncset.done $0x0  }
0x31: {  	[sflag:s19] =	ssyncadd.s32 $0xFFFFCE00  }
0x32: {  	[spmem:s10] =	stream.linear.scatter [tilespmem:s18], [sflag:$0x4], $0x3200, $0x38;
	[tilespmem:$0x1EDC0] =	vst v63  }
0x33: {  	_ =	swait.ge [sflag:s19], $0x3200  }
0x34: {  	[sflag:s19] =	ssyncset.done $0x0  }
0x35: {  	[sflag:s19] =	ssyncadd.s32 $0xFFFFCE00  }
0x36: {  	[spmem:s11] =	stream.linear.scatter [tilespmem:s18], [sflag:$0x4], $0x3200, $0x38;
	[tilespmem:$0x1EDC0] =	vst v63  }
0x37: {  	_ =	swait.ge [sflag:s19], $0x3200  }
0x38: {  	[sflag:s19] =	ssyncset.done $0x0  }
0x39: {  	[sflag:s19] =	ssyncadd.s32 $0xFFFFCE00  }
0x3a: {  	[spmem:s12] =	stream.linear.scatter [tilespmem:s18], [sflag:$0x4], $0x3200, $0x38;
	[tilespmem:$0x1EDC0] =	vst v63  }
0x3b: {  	_ =	swait.ge [sflag:s19], $0x3200  }
0x3c: {  	[sflag:s19] =	ssyncset.done $0x0  }
0x3d: {  	[sflag:s19] =	ssyncadd.s32 $0xFFFFCE00  }
0x3e: {  	[spmem:s13] =	stream.linear.scatter [tilespmem:s18], [sflag:$0x4], $0xC80, $0x38;
	[tilespmem:$0x1EDC0] =	vst v63  }
0x3f: {  	_ =	swait.ge [sflag:s19], $0xC80  }
0x40: {  	[sflag:s19] =	ssyncset.done $0x0  }
0x41: {  	[sflag:s19] =	ssyncadd.s32 $0xFFFFF380  }
0x42: {  	_ =	swait.ge [sflag:s20], $0x28A0  }
0x43: {  	[sflag:s20] =	ssyncset.done $0x0  }
0x44: {  	[sflag:s20] =	ssyncadd.s32 $0xFFFFD760  }
0x45: {  	_ =	swait.ge [sflag:s20], $0x28A0  }
0x46: {  	[sflag:s20] =	ssyncset.done $0x0  }
0x47: {  	[sflag:s20] =	ssyncadd.s32 $0xFFFFD760  }
0x48: {  	[bflag:$0x0] =	sbarrier.arrive $0xFFFF  }
0x49: {  	[tilespmem:s18], [sflag:$0x1] =	stream.indirect.gather [hbm4b:s2+s21], $0x80, s16, s21, $0xb8;
	[tilespmem:$0x1EDC0] =	vst v63  }
0x4a: {  	s30 =	simm.s32 $0x138E8  }
0x4b: {  	[tilespmem:s22], [sflag:$0x2] =	stream.indirect.gather [hbm4b:s2+s21], $0x80, s30, s21, $0xb8;
	[tilespmem:$0x1EDC0] =	vst v63  }
0x4c: {  	_ =	swait.ge [sflag:s23], $0x3200  }
0x4d: {  	[sflag:s23] =	ssyncset.done $0x0  }
0x4e: {  	s30 =	simm.s32 $0x16120;
	[sflag:s23] =	ssyncadd.s32 $0xFFFFCE00  }
0x4f: {  	[spmem:s3] =	stream.indirect.scatter.add.f32 [tilespmem:s18], [sflag:$0x4], $0x80, s30, s21, $0xb8;
	[tilespmem:$0x1EDC0] =	vst v63  }
0x50: {  	_ =	swait.ge [sflag:s19], $0x3200  }
0x51: {  	[sflag:s19] =	ssyncset.done $0x0  }
0x52: {  	s30 =	simm.s32 $0x13950;
	[sflag:s19] =	ssyncadd.s32 $0xFFFFCE00  }
0x53: {  	[tilespmem:s18], [sflag:$0x1] =	stream.indirect.gather [hbm4b:s2+s21], $0x80, s30, s21, $0xb8;
	[tilespmem:$0x1EDC0] =	vst v63  }
0x54: {  	_ =	swait.ge [sflag:s24], $0x3200  }
0x55: {  	[sflag:s24] =	ssyncset.done $0x0  }
0x56: {  	s30 =	simm.s32 $0x16188;
	[sflag:s24] =	ssyncadd.s32 $0xFFFFCE00  }
0x57: {  	[spmem:s3] =	stream.indirect.scatter.add.f32 [tilespmem:s22], [sflag:$0x4], $0x80, s30, s21, $0xb8;
	[tilespmem:$0x1EDC0] =	vst v63  }
0x58: {  	_ =	swait.ge [sflag:s19], $0x3200  }
0x59: {  	s31 =	simm.s32 $0x680;
	s30 =	simm.s32 $0xD0;
	[sflag:s19] =	ssyncset.done $0x0  }
.LBB2_4:
0x5a: {  	s0 =	sadd.s32 $0x138E8, s30  }
0x5b: {  	[sflag:s19] =	ssyncadd.s32 $0xFFFFCE00;
	s1 =	smov.u32 s31;
	s17 =	sadd.s32 $0x340, s31  }
0x5c: {  	[tilespmem:s22], [sflag:$0x2] =	stream.indirect.gather [hbm4b:s2+s21], $0x80, s0, s21, $0xb8;
	[tilespmem:$0x1EDC0] =	vst v63  }
0x5d: {  	p0 =	sne.s32 s31, $0x9C00;
	_ =	swait.ge [sflag:s23], $0x3200  }
0x5e: {  	[sflag:s23] =	ssyncset.done $0x0  }
0x5f: {  	s0 =	sadd.s32 $0x16120, s30;
	[sflag:s23] =	ssyncadd.s32 $0xFFFFCE00  }
0x60: {  	[spmem:s3] =	stream.indirect.scatter.add.f32 [tilespmem:s18], [sflag:$0x4], $0x80, s0, s21, $0xb8;
	[tilespmem:$0x1EDC0] =	vst v63  }
0x61: {  	_ =	swait.ge [sflag:s19], $0x3200  }
0x62: {  	[sflag:s19] =	ssyncset.done $0x0  }
0x63: {  	s0 =	sadd.s32 $0x13950, s30;
	[sflag:s19] =	ssyncadd.s32 $0xFFFFCE00  }
0x64: {  	[tilespmem:s18], [sflag:$0x1] =	stream.indirect.gather [hbm4b:s2+s21], $0x80, s0, s21, $0xb8;
	[tilespmem:$0x1EDC0] =	vst v63  }
0x65: {  	_ =	swait.ge [sflag:s24], $0x3200  }
.Ltmp1:
0x66: {  	[sflag:s24] =	ssyncset.done $0x0;
	(pc) =	sbr.rel @p0 .LBB2_4-.Ltmp1, $4  }
0x67: {  	s0 =	sadd.s32 $0x16188, s30;
	[sflag:s24] =	ssyncadd.s32 $0xFFFFCE00  }
0x68: {  	[spmem:s3] =	stream.indirect.scatter.add.f32 [tilespmem:s22], [sflag:$0x4], $0x80, s0, s21, $0xb8;
	[tilespmem:$0x1EDC0] =	vst v63  }
0x69: {  	_ =	swait.ge [sflag:s19], $0x3200  }
0x6a: {  	s31 =	smov.u32 s17;
	s30 =	sshra.s32 s1, $0x2;
	[sflag:s19] =	ssyncset.done $0x0  }
0x6b: {  	s0 =	sadd.s32 $0x138E8, s30;
	[sflag:s19] =	ssyncadd.s32 $0xFFFFCE00  }
0x6c: {  	[tilespmem:s22], [sflag:$0x2] =	stream.indirect.gather [hbm4b:s2+s21], $0x80, s0, s21, $0xb8;
	[tilespmem:$0x1EDC0] =	vst v63  }
0x6d: {  	_ =	swait.ge [sflag:s23], $0x3200  }
0x6e: {  	[sflag:s23] =	ssyncset.done $0x0  }
0x6f: {  	s1 =	sadd.s32 $0x16120, s30;
	[sflag:s23] =	ssyncadd.s32 $0xFFFFCE00  }
0x70: {  	[spmem:s3] =	stream.indirect.scatter.add.f32 [tilespmem:s18], [sflag:$0x4], $0x80, s1, s21, $0xb8;
	[tilespmem:$0x1EDC0] =	vst v63  }
0x71: {  	_ =	swait.ge [sflag:s19], $0x3200  }
0x72: {  	[sflag:s19] =	ssyncset.done $0x0  }
0x73: {  	s17 =	sadd.s32 $0x13950, s30;
	[sflag:s19] =	ssyncadd.s32 $0xFFFFCE00  }
0x74: {  	[tilespmem:s18], [sflag:$0x1] =	stream.indirect.gather [hbm4b:s2+s21], $0x80, s17, s21, $0xb8;
	[tilespmem:$0x1EDC0] =	vst v63  }
0x75: {  	_ =	swait.ge [sflag:s24], $0x3200  }
0x76: {  	[sflag:s24] =	ssyncset.done $0x0  }
0x77: {  	s30 =	sadd.s32 $0x16188, s30;
	[sflag:s24] =	ssyncadd.s32 $0xFFFFCE00  }
0x78: {  	[spmem:s3] =	stream.indirect.scatter.add.f32 [tilespmem:s22], [sflag:$0x4], $0x80, s30, s21, $0xb8;
	[tilespmem:$0x1EDC0] =	vst v63  }
0x79: {  	_ =	swait.ge [sflag:s19], $0x3200  }
0x7a: {  	[sflag:s19] =	ssyncset.done $0x0  }
0x7b: {  	[sflag:s19] =	ssyncadd.s32 $0xFFFFCE00  }
0x7c: {  	[tilespmem:s22], [sflag:$0x2] =	stream.indirect.gather [hbm4b:s2+s21], $0x80, s25, s21, $0xb8;
	[tilespmem:$0x1EDC0] =	vst v63  }
0x7d: {  	_ =	swait.ge [sflag:s23], $0x3200  }
0x7e: {  	[sflag:s23] =	ssyncset.done $0x0  }
0x7f: {  	[sflag:s23] =	ssyncadd.s32 $0xFFFFCE00  }
0x80: {  	[spmem:s3] =	stream.indirect.scatter.add.f32 [tilespmem:s18], [sflag:$0x4], $0x80, s26, s21, $0xb8;
	[tilespmem:$0x1EDC0] =	vst v63  }
0x81: {  	_ =	swait.ge [sflag:s19], $0x3200  }
0x82: {  	[sflag:s19] =	ssyncset.done $0x0  }
0x83: {  	[sflag:s19] =	ssyncadd.s32 $0xFFFFCE00  }
0x84: {  	_ =	swait.ge [sflag:s24], $0x3200  }
0x85: {  	[sflag:s24] =	ssyncset.done $0x0  }
0x86: {  	[sflag:s24] =	ssyncadd.s32 $0xFFFFCE00  }
0x87: {  	[spmem:s3] =	stream.indirect.scatter.add.f32 [tilespmem:s22], [sflag:$0x4], $0x80, s28, s21, $0xb8;
	[tilespmem:$0x1EDC0] =	vst v63  }
0x88: {  	s31 =	stileid.u32;
	_ =	swait.ge [sflag:s19], $0x3200  }
0x89: {  	s29 =	sadd.s32 $0x1, s29;
	s0 =	sshll.u32 s31, $0x6;
	[sflag:s19] =	ssyncset.done $0x0  }
0x8a: {  	p0 =	sne.s32 s29, s15;
	s0 =	sor.u32 $0x1C04, s0;
	[sflag:s19] =	ssyncadd.s32 $0xFFFFCE00  }
.Ltmp2:
0x8b: {  	s1 =	sshrl.u32 s7, $0x3;
	[bflag:$0x0] =	sbarrier.arrive $0xFFFF;
	(pc) =	sbr.rel @p0 .LBB2_1-.Ltmp2, $4  }
0x8c: {  	[hbm:s14], [sflag:s0] =	dma.local [spmem:s1], $0x2710  }
0x8d: {  	_ =	swait.ge [sflag:s19], $0x2710  }
0x8e: {  	[sflag:s19] =	ssyncset.done $0x0  }
0x8f: {  	[sflag:s19] =	ssyncadd.s32 $0xFFFFD8F0  }
0x90: {  	_ =	sfence.sel $0x180000  }
0x91: {  	[bflag:$0x0] =	sbarrier.arrive $0xFFFF  }
0x92: {  	_ =	strace $0x9000004A  }
0x93: {  	s0 =	stileid.u32;
	[bflag:$0x2] =	sbarrier.arrive $0xFFFF  }
0x94: {  	p0 =	sne.s32 s0, $0x0;
	s0 =	rddreg [dreg:$0x3]  }
0x95: {  	s0 =	sadd.s32 @!p0 $0x100000, s0  }
0x96: {  	[sflag:s0] =	ssyncadd.tile.s32 @!p0 $0x1;
	_ =	shalt  }
.Lfunc_end2:
_tile_overlayer_lowered:
.L_overlay_start_2:
0x97: {  	(tag) =	ssettag $0x2  }
0x98: {  	s0 =	rddreg [dreg:$0x0];
	s2 =	stileid.u32  }
0x99: {  	s1 =	rddreg [dreg:$0x1];
	p0 =	sne.s32 s2, $0x0  }
0x9a: {  	s3 =	rddreg [dreg:$0x2];
	[bflag:$0x3] =	sbarrier.arrive $0xFFFF;
	s2 =	simm.s32 @!p0 $0x1C04  }
0x9b: {  	[timem:s3], [sflag:s2] =	dma.local @!p0 [hbm:s0], s1  }
0x9c: {  	s0 =	simm.s32 @!p0 $0x4  }
0x9d: {  	_ =	swait.ge @!p0 [sflag:s0], s1  }
0x9e: {  	s1 =	ssub.s32 @!p0 $0x0, s1;
	[sflag:s0] =	ssyncset.done @!p0 $0x0  }
0x9f: {  	[sflag:s0] =	ssyncadd.s32 @!p0 s1  }
0xa0: {  	[bflag:$0x3] =	sbarrier.arrive $0xFFFF  }
0xa1: {  	_ =	shalt  }

// kernel: kernel.14.cloned.1.call-start
scs
__scs_entry_jumppad:
0x0: {  	(pc) =	sbr.rel $0x88, $3  }
0x1: {  	(tag) =	ssettag $0x0;
	lr =	simm.s32 $0x1  }
0x2: {  	[smem:$0x3F93] =	sst lr;
	_ =	strace $0xD0000000  }
0x3: {  	_ = 	snop  }
0x4: {  	_ = 	snop  }
0x5: {  	_ = 	snop  }
0x6: {  	_ = 	snop  }
0x7: {  	_ = 	snop  }
__scs_overlays_trampoline_lowered:
0x8: {  	[smem:$0x3FA2] =	sst s0  }
0x9: {  	[smem:$0x3FA3] =	sst s1  }
0xa: {  	[smem:$0x3FA4] =	sst s2  }
0xb: {  	[smem:$0x3FA5] =	sst s3  }
0xc: {  	[smem:$0x3FA6] =	sst s4  }
0xd: {  	[smem:$0x3FA7] =	sst s5  }
0xe: {  	[smem:$0x3FA8] =	sst s6  }
0xf: {  	[smem:$0x3FA9] =	sst s7  }
0x10: {  	[smem:$0x3FAA] =	sst s8  }
0x11: {  	[smem:$0x3FAB] =	sst s9;
	s0 =	simm.s32 @!p0 $0x0  }
0x12: {  	s1 =	sld [smem:$0x3F91];
	s0 =	simm.s32 @p0 $0x1  }
0x13: {  	[smem:$0x3FAC] =	sst s0;
	s0 =	simm.s32 @!p1 $0x0  }
0x14: {  	s2 =	sld [smem:$0x3F90];
	s0 =	simm.s32 @p1 $0x1  }
0x15: {  	[smem:$0x3FAD] =	sst s0;
	s0 =	simm.s32 @!p2 $0x0  }
0x16: {  	s3 =	sld [smem:$0x3FDB];
	s0 =	simm.s32 @p2 $0x1  }
0x17: {  	s4 =	simm.s32 $0x1BF5;
	[smem:$0x3FAF] =	sst s0  }
0x18: {  	s0 =	sld [smem:$0x3F92];
	_ =	swait.ge [sflag:s4], $0x0  }
0x19: {  	s7 =	sld [smem:$0x3F93]  }
0x1a: {  	s8 =	sadd.s32 $0xFFFFE003, lr  }
0x1b: {  	s9 =	sadd.s32 $0xFFFFFEF7, lr;
	s5 =	simm.s32 $0xFFFFFFFF;
	p2 =	slt.u32 s8, $0xFFFFF086  }
0x1c: {  	p1 =	slt.u32 s9, $0xF7A;
	s5 =	simm.s32 @!p2 $0x0  }
0x1d: {  	s5 =	simm.s32 @p1 $0x1;
	p0 =	seq.s32 s7, s2  }
0x1e: {  	s7 =	smul.u32 @!p0 $0xF7A, s2;
	p2 =	seq.s32 @!p0 s5, $0x0  }
0x1f: {  	s9 =	smul.u32 $0xF7A, s1;
	s8 =	simm.s32 @!p0 $0x1BF5;
	p2 =	por !p2, p0  }
0x20: {  	[sflag:s8] =	ssyncset.s32 @!p0 $0xFFFFF086;
	s6 =	sadd.s32 @!p0 s3, s7;
	s7 =	simm.s32 @!p0 $0x108  }
0x21: {  	s3 =	sadd.s32 s3, s9;
	s6 =	sadd.s32 @!p0 $0x88, s6;
	s7 =	simm.s32 @p2 $0x1082  }
0x22: {  	[simem:s7], [sflag:s8] =	dma.local @!p0 [hbm:s6], $0xF7A  }
0x23: {  	s9 =	sor.u32 $0xD0000000, s2;
	s6 =	simm.s32 $0x108;
	_ =	swait.ge @!p0 [sflag:s8], $0x0  }
0x24: {  	s3 =	sadd.s32 $0x88, s3;
	s6 =	simm.s32 @!p1 $0x1082;
	[sflag:s4] =	ssyncset.s32 $0xFFFFF086  }
0x25: {  	[simem:s6], [sflag:s4] =	dma.local [hbm:s3], $0xF7A  }
0x26: {  	[smem:$0x3F93] =	sst s1;
	(tag) =	ssettag s2;
	_ =	strace s9  }
0x27: {  	s1 =	sld [smem:$0x3FA3]  }
0x28: {  	s2 =	sld [smem:$0x3FA4]  }
0x29: {  	s4 =	sld [smem:$0x3FA6]  }
0x2a: {  	p0 =	seq.s32 s5, $0x0;
	s5 =	sld [smem:$0x3FA7]  }
0x2b: {  	s6 =	sld [smem:$0x3FA8]  }
0x2c: {  	s7 =	sld [smem:$0x3FA9]  }
0x2d: {  	s3 =	simm.s32 $0x108;
	s8 =	sld [smem:$0x3FAA]  }
0x2e: {  	s3 =	simm.s32 @!p0 $0x1082;
	s9 =	sld [smem:$0x3FAB]  }
0x2f: {  	lr =	sadd.s32 s0, s3;
	s0 =	sld [smem:$0x3FA2]  }
0x30: {  	s3 =	sld [smem:$0x3FA5]  }
0x31: {  	[smem:$0x3FAE] =	sst s10  }
0x32: {  	s10 =	sld [smem:$0x3FAC];
	_ =	sdelay $0x3  }
0x33: {  	p0 =	seq.s32 s10, $0x1;
	s10 =	sld [smem:$0x3FAE];
	_ =	sdelay $0x3  }
0x34: {  	[smem:$0x3FAE] =	sst s10  }
0x35: {  	s10 =	sld [smem:$0x3FAD];
	_ =	sdelay $0x3  }
0x36: {  	p1 =	seq.s32 s10, $0x1;
	s10 =	sld [smem:$0x3FAE];
	_ =	sdelay $0x3  }
0x37: {  	[smem:$0x3FAE] =	sst s10  }
0x38: {  	s10 =	sld [smem:$0x3FAF]  }
0x39: {  	_ = 	snop;
	(pc) =	sbr.ind lr, $3  }
0x3a: {  	_ = 	snop  }
0x3b: {  	_ = 	snop  }
0x3c: {  	p2 =	seq.s32 s10, $0x1;
	s10 =	sld [smem:$0x3FAE]  }
0x3d: {  	_ =	shalt  }
0x3e: {  	_ =	shalt  }
0x3f: {  	_ =	shalt  }
0x40: {  	_ =	shalt  }
0x41: {  	_ =	shalt  }
0x42: {  	_ =	shalt  }
0x43: {  	_ =	shalt  }
0x44: {  	_ =	shalt  }
0x45: {  	_ =	shalt  }
0x46: {  	_ =	shalt  }
0x47: {  	_ =	shalt  }
0x48: {  	_ =	shalt  }
0x49: {  	_ =	shalt  }
0x4a: {  	_ =	shalt  }
0x4b: {  	_ =	shalt  }
0x4c: {  	_ =	shalt  }
0x4d: {  	_ =	shalt  }
0x4e: {  	_ =	shalt  }
0x4f: {  	_ =	shalt  }
0x50: {  	_ =	shalt  }
0x51: {  	_ =	shalt  }
0x52: {  	_ =	shalt  }
0x53: {  	_ =	shalt  }
0x54: {  	_ =	shalt  }
0x55: {  	_ =	shalt  }
0x56: {  	_ =	shalt  }
0x57: {  	_ =	shalt  }
0x58: {  	_ =	shalt  }
0x59: {  	_ =	shalt  }
0x5a: {  	_ =	shalt  }
0x5b: {  	_ =	shalt  }
0x5c: {  	_ =	shalt  }
0x5d: {  	_ =	shalt  }
0x5e: {  	_ =	shalt  }
0x5f: {  	_ =	shalt  }
0x60: {  	_ =	shalt  }
0x61: {  	_ =	shalt  }
0x62: {  	_ =	shalt  }
0x63: {  	_ =	shalt  }
0x64: {  	_ =	shalt  }
0x65: {  	_ =	shalt  }
0x66: {  	_ =	shalt  }
0x67: {  	_ =	shalt  }
0x68: {  	_ =	shalt  }
0x69: {  	_ =	shalt  }
0x6a: {  	_ =	shalt  }
0x6b: {  	_ =	shalt  }
0x6c: {  	_ =	shalt  }
0x6d: {  	_ =	shalt  }
0x6e: {  	_ =	shalt  }
0x6f: {  	_ =	shalt  }
0x70: {  	_ =	shalt  }
0x71: {  	_ =	shalt  }
0x72: {  	_ =	shalt  }
0x73: {  	_ =	shalt  }
0x74: {  	_ =	shalt  }
0x75: {  	_ =	shalt  }
0x76: {  	_ =	shalt  }
0x77: {  	_ =	shalt  }
0x78: {  	_ =	shalt  }
0x79: {  	_ =	shalt  }
0x7a: {  	_ =	shalt  }
0x7b: {  	_ =	shalt  }
0x7c: {  	_ =	shalt  }
0x7d: {  	_ =	shalt  }
0x7e: {  	_ =	shalt  }
0x7f: {  	_ =	shalt  }
0x80: {  	_ =	shalt  }
0x81: {  	_ =	shalt  }
0x82: {  	_ =	shalt  }
0x83: {  	_ =	shalt  }
0x84: {  	_ =	shalt  }
0x85: {  	_ =	shalt  }
0x86: {  	_ =	shalt  }
0x87: {  	_ =	shalt  }
.Lfunc_end0:
.L_simem_size_0:
called_computation.2_lowered:
.L_overlay_start_0:
0x88: {  	s2 =	sld [smem:$0x3FD9]  }
0x89: {  	s3 =	sld [smem:$0x3FFE];
	_ =	sdelay $0x1  }
0x8a: {  	s1 =	srdreg.scid  }
0x8b: {  	s0 =	sand.u32 $0x1, s1  }
0x8c: {  	s17 =	sshll.u32 s0, $0xA;
	s2 =	sadd.s32 s3, s2  }
0x8d: {  	s2 =	sadd.s32 s2, s17  }
0x8e: {  	[smem:$0x3FBA] =	sst s2  }
0x8f: {  	_ = 	snop  }
0x90: {  	s2 =	sld [smem:$0x3FD0];
	(tm) =	ssettm $0x1  }
0x91: {  	s18 =	sld [smem:$0x3FFB];
	_ =	sdelay $0x3  }
0x92: {  	_ =	strace s18  }
0x93: {  	s3 =	sld [smem:$0x3FFC];
	_ =	sdelay $0x3  }
0x94: {  	_ =	strace s3  }
0x95: {  	s3 =	sld [smem:$0x3FFD];
	_ =	sdelay $0x3  }
0x96: {  	_ =	strace s3  }
0x97: {  	_ =	strace $0x8FFFFFFF  }
0x98: {  	s19 =	sld [smem:$0x3FDB];
	_ =	sdelay $0x1  }
0x99: {  	s4 =	simm.s32 $_scs_section_size  }
0x9a: {  	s5 =	simm.s32 $_size__tile_overlayer_lowered;
	s6 =	simm.s32 $_tile_overlayer_lowered  }
0x9b: {  	s22 =	simm.s32 $0x1BFF;
	s21 =	sshll.u32 s6, $0x1;
	s3 =	sadd.s32 s4, s19  }
0x9c: {  	s7 =	simm.s32 $0x0;
	s20 =	sshll.u32 s5, $0x1;
	s5 =	sadd.s32 s21, s3  }
0x9d: {  	[timem:s7], [sflag:s22] =	dma.local [hbm:s5], s20  }
0x9e: {  	_ =	swait.ge [sflag:s22], s20  }
0x9f: {  	s4 =	ssub.s32 $0x0, s20;
	[sflag:s22] =	ssyncset.done $0x0  }
0xa0: {  	[sflag:s22] =	ssyncadd.s32 s4;
	_ =	sdelay $0x1  }
0xa1: {  	s23 =	simm.s32 $0x1B8B  }
0xa2: {  	_ =	swait.ge [sflag:s23], $0x1  }
0xa3: {  	[sflag:s23] =	ssyncset.done $0x0  }
0xa4: {  	s25 =	simm.s32 $0x1B8E;
	s24 =	sld [smem:$0x3FFE];
	[sflag:s23] =	ssyncadd.s32 $0xFFFFFFFF  }
0xa5: {  	s26 =	simm.s32 $execute0_lowered;
	[smem:$0x3FD2] =	sst s25  }
0xa6: {  	s5 =	sshll.u32 s26, $0x1;
	_ =	strace $0x8000004C;
	[dreg:$0x1] =	wrdreg $0xFFFFFFFF  }
0xa7: {  	s28 =	simm.s32 $_size_execute0_lowered;
	s3 =	sadd.s32 s3, s5;
	[dreg:$0x0] =	wrdreg $0x0  }
0xa8: {  	s5 =	sshll.u32 s28, $0x1;
	[dreg:$0x2] =	wrdreg s3  }
0xa9: {  	[dreg:$0x3] =	wrdreg s5  }
0xaa: {  	[dreg:$0x4] =	wrdreg $0xC0  }
0xab: {  	_ =	task [dreg:s7], $0x5FFFF  }
0xac: {  	[dreg:$0x1] =	wrdreg $0xFFFFFFFF  }
0xad: {  	[dreg:$0x0] =	wrdreg $0x60  }
0xae: {  	[dreg:$0x2] =	wrdreg s2  }
0xaf: {  	[dreg:$0x3] =	wrdreg s24  }
0xb0: {  	[dreg:$0x4] =	wrdreg $0x0  }
0xb1: {  	[dreg:$0x5] =	wrdreg $0x9  }
0xb2: {  	_ =	task.clear_ibuf [dreg:s7], $0x6FFFF;
	_ =	strace $0x9000004C  }
0xb3: {  	s29 =	simm.s32 $0x9;
	_ =	strace $0x8000004E  }
0xb4: {  	_ =	swait.ge [sflag:s29], $0x1  }
0xb5: {  	[sflag:s29] =	ssyncadd.s32 $0xFFFFFFFF  }
0xb6: {  	_ =	strace $0x9000004E  }
0xb7: {  	_ =	sfence  }
0xb8: {  	s30 =	sld [smem:$0x0];
	_ =	sdelay $0x2  }
0xb9: {  	s31 =	sshll.u32 s1, $0xD;
	s1 =	sshrl.u32 s1, $0x2  }
0xba: {  	s3 =	sand.u32 $0x4000, s31;
	s1 =	sadd.s32 s1, s30  }
0xbb: {  	s0 =	sor.u32 s3, s0;
	s1 =	sshll.u32 s1, $0x11  }
0xbc: {  	s0 =	sor.u32 s1, s0  }
0xbd: {  	s0 =	sadd.s32 $0x8F2B, s0  }
0xbe: {  	[sflag:s0] =	ssyncadd.remote.s32 $0x1  }
0xbf: {  	_ =	sfence.sel $0xFFFF  }
0xc0: {  	[dreg:$0x0] =	wrdreg $0xFFFFFFFF;
	(pc) =	sbr.abs _section_cstart, $3  }
0xc1: {  	[dreg:$0x1] =	wrdreg $0xFFFFFFFF  }
0xc2: {  	_ =	task.clear_ibuf [dreg:s7], $0x2FFFF;
	_ =	strace $0x9FFFFFFF  }
0xc3: {  	(tm) =	ssettm $0x7FFFFFFF  }
tec
execute0_lowered:
.L_overlay_start_1:
0x0: {  	(tag) =	ssettag $0x1  }
0x1: {  	s2 =	rddreg [dreg:$0x0]  }
0x2: {  	s5 =	rddreg [dreg:$0x1]  }
0x3: {  	s3 =	rddreg [dreg:$0x2]  }
0x4: {  	s4 =	srdreg.scid;
	s0 =	stileid.u32  }
0x5: {  	s16 =	simm.s32 $0x13880;
	s18 =	simm.s32 $0x189C0;
	s19 =	simm.s32 $0x4  }
0x6: {  	s20 =	simm.s32 $0x3;
	s21 =	simm.s32 $0x64;
	s22 =	simm.s32 $0x1BBC0  }
0x7: {  	s23 =	simm.s32 $0x1;
	s24 =	simm.s32 $0x2;
	s25 =	simm.s32 $0x160B8  }
0x8: {  	s26 =	simm.s32 $0x188F0;
	s28 =	simm.s32 $0x18958;
	s7 =	smul.u32 $0x13880, s0  }
0x9: {  	s29 =	simm.s32 $0x0;
	s6 =	sand.u32 $0x1, s4;
	s10 =	smul.u32 $0x4E200, s0  }
0xa: {  	s4 =	simm.s32 $0x0;
	s8 =	sshll.u32 s6, $0x4;
	s9 =	smul.u32 $0x138800, s6  }
0xb: {  	[smem:$0x7FF] =	sst s4;
	s6 =	ssub.s32 $0x2, s6;
	s8 =	sor.u32 s0, s8  }
0xc: {  	_ =	strace $0x8000004D;
	s30 =	sshrl.u32 s6, $0x1;
	s31 =	sshrl.u32 s10, $0x2  }
0xd: {  	s8 =	smul.u32 $0x514, s8;
	s9 =	sadd.s32 s7, s9;
	s15 =	ssub.s32 s6, s30  }
0xe: {  	s7 =	sadd.s32 s7, s3;
	s13 =	sadd.s32 s31, s3;
	s9 =	sshrl.u32 s9, $0x3  }
0xf: {  	s10 =	sadd.s32 $0x9600, s13;
	s11 =	sadd.s32 $0xC800, s13;
	s12 =	sadd.s32 $0xFA00, s13  }
0x10: {  	s15 =	smax.u32 s15, $0x1;
	s8 =	sadd.s32 s8, s5;
	s14 =	sadd.s32 s9, s5  }
0x11: {  	s9 =	sadd.s32 $0x6400, s13;
	s5 =	sadd.s32 $0xE600, s8;
	s6 =	sadd.s32 $0x18A00, s8  }
0x12: {  	v0 =	vimm.f32 $0.0e+00;
	s8 =	sadd.s32 $0x3200, s13;
	s13 =	sadd.s32 $0x12C00, s13;
	s14 =	sadd.s32 $0x4A000, s14  }
.LBB2_1:
0x13: {  	[tilespmem:s16], [sflag:$0x3] =	stream.linear.gather [hbm4b:s5+s4], $0x28A0, $0x38;
	[tilespmem:$0x1EDC0] =	vst v63  }
0x14: {  	s0 =	simm.s32 $0x16120;
	s30 =	simm.s32 $0x70;
	s31 =	simm.s32 $0x3C0  }
0x15: {  	[tilespmem:s0], [sflag:$0x3] =	stream.linear.gather [hbm4b:s6+s4], $0x28A0, $0x38;
	[tilespmem:$0x1EDC0] =	vst v63  }
.LBB2_2:
0x16: {  	p0 =	sne.s32 s31, $0xC7C0;
	[tilespmem:s30+$0x189C0] =	vst v0  }
0x17: {  	[tilespmem:s30+$0x18950] =	vst v0  }
0x18: {  	[tilespmem:s30+$0x18960] =	vst v0  }
.Ltmp0:
0x19: {  	[tilespmem:s30+$0x18970] =	vst v0;
	(pc) =	sbr.rel @p0 .LBB2_2-.Ltmp0, $4  }
0x1a: {  	[tilespmem:s30+$0x18980] =	vst v0  }
0x1b: {  	[tilespmem:s30+$0x18990] =	vst v0  }
0x1c: {  	[tilespmem:s30+$0x189A0] =	vst v0  }
0x1d: {  	[tilespmem:s30+$0x189B0] =	vst v0;
	s30 =	sshra.s32 s31, $0x2;
	s31 =	sadd.s32 $0x200, s31  }
0x1e: {  	[tilespmem:s30+$0x189C0] =	vst v0  }
0x1f: {  	[tilespmem:s30+$0x18950] =	vst v0  }
0x20: {  	[tilespmem:s30+$0x18960] =	vst v0  }
0x21: {  	[tilespmem:s30+$0x18970] =	vst v0  }
0x22: {  	[tilespmem:s30+$0x18980] =	vst v0  }
0x23: {  	[tilespmem:s30+$0x18990] =	vst v0  }
0x24: {  	[tilespmem:s30+$0x189A0] =	vst v0  }
0x25: {  	[tilespmem:s30+$0x189B0] =	vst v0  }
0x26: {  	[spmem:s7] =	stream.linear.scatter [tilespmem:s18], [sflag:$0x4], $0x3200, $0x38;
	[tilespmem:$0x1EDC0] =	vst v63  }
0x27: {  	_ =	swait.ge [sflag:s19], $0x3200  }
0x28: {  	[sflag:s19] =	ssyncset.done $0x0  }
0x29: {  	[sflag:s19] =	ssyncadd.s32 $0xFFFFCE00  }
0x2a: {  	[spmem:s8] =	stream.linear.scatter [tilespmem:s18], [sflag:$0x4], $0x3200, $0x38;
	[tilespmem:$0x1EDC0] =	vst v63  }
0x2b: {  	_ =	swait.ge [sflag:s19], $0x3200  }
0x2c: {  	[sflag:s19] =	ssyncset.done $0x0  }
0x2d: {  	[sflag:s19] =	ssyncadd.s32 $0xFFFFCE00  }
0x2e: {  	[spmem:s9] =	stream.linear.scatter [tilespmem:s18], [sflag:$0x4], $0x3200, $0x38;
	[tilespmem:$0x1EDC0] =	vst v63  }
0x2f: {  	_ =	swait.ge [sflag:s19], $0x3200  }
0x30: {  	[sflag:s19] =	ssyncset.done $0x0  }
0x31: {  	[sflag:s19] =	ssyncadd.s32 $0xFFFFCE00  }
0x32: {  	[spmem:s10] =	stream.linear.scatter [tilespmem:s18], [sflag:$0x4], $0x3200, $0x38;
	[tilespmem:$0x1EDC0] =	vst v63  }
0x33: {  	_ =	swait.ge [sflag:s19], $0x3200  }
0x34: {  	[sflag:s19] =	ssyncset.done $0x0  }
0x35: {  	[sflag:s19] =	ssyncadd.s32 $0xFFFFCE00  }
0x36: {  	[spmem:s11] =	stream.linear.scatter [tilespmem:s18], [sflag:$0x4], $0x3200, $0x38;
	[tilespmem:$0x1EDC0] =	vst v63  }
0x37: {  	_ =	swait.ge [sflag:s19], $0x3200  }
0x38: {  	[sflag:s19] =	ssyncset.done $0x0  }
0x39: {  	[sflag:s19] =	ssyncadd.s32 $0xFFFFCE00  }
0x3a: {  	[spmem:s12] =	stream.linear.scatter [tilespmem:s18], [sflag:$0x4], $0x3200, $0x38;
	[tilespmem:$0x1EDC0] =	vst v63  }
0x3b: {  	_ =	swait.ge [sflag:s19], $0x3200  }
0x3c: {  	[sflag:s19] =	ssyncset.done $0x0  }
0x3d: {  	[sflag:s19] =	ssyncadd.s32 $0xFFFFCE00  }
0x3e: {  	[spmem:s13] =	stream.linear.scatter [tilespmem:s18], [sflag:$0x4], $0xC80, $0x38;
	[tilespmem:$0x1EDC0] =	vst v63  }
0x3f: {  	_ =	swait.ge [sflag:s19], $0xC80  }
0x40: {  	[sflag:s19] =	ssyncset.done $0x0  }
0x41: {  	[sflag:s19] =	ssyncadd.s32 $0xFFFFF380  }
0x42: {  	_ =	swait.ge [sflag:s20], $0x28A0  }
0x43: {  	[sflag:s20] =	ssyncset.done $0x0  }
0x44: {  	[sflag:s20] =	ssyncadd.s32 $0xFFFFD760  }
0x45: {  	_ =	swait.ge [sflag:s20], $0x28A0  }
0x46: {  	[sflag:s20] =	ssyncset.done $0x0  }
0x47: {  	[sflag:s20] =	ssyncadd.s32 $0xFFFFD760  }
0x48: {  	[bflag:$0x0] =	sbarrier.arrive $0xFFFF  }
0x49: {  	[tilespmem:s18], [sflag:$0x1] =	stream.indirect.gather [hbm4b:s2+s21], $0x80, s16, s21, $0xb8;
	[tilespmem:$0x1EDC0] =	vst v63  }
0x4a: {  	s30 =	simm.s32 $0x138E8  }
0x4b: {  	[tilespmem:s22], [sflag:$0x2] =	stream.indirect.gather [hbm4b:s2+s21], $0x80, s30, s21, $0xb8;
	[tilespmem:$0x1EDC0] =	vst v63  }
0x4c: {  	_ =	swait.ge [sflag:s23], $0x3200  }
0x4d: {  	[sflag:s23] =	ssyncset.done $0x0  }
0x4e: {  	s30 =	simm.s32 $0x16120;
	[sflag:s23] =	ssyncadd.s32 $0xFFFFCE00  }
0x4f: {  	[spmem:s3] =	stream.indirect.scatter.add.f32 [tilespmem:s18], [sflag:$0x4], $0x80, s30, s21, $0xb8;
	[tilespmem:$0x1EDC0] =	vst v63  }
0x50: {  	_ =	swait.ge [sflag:s19], $0x3200  }
0x51: {  	[sflag:s19] =	ssyncset.done $0x0  }
0x52: {  	s30 =	simm.s32 $0x13950;
	[sflag:s19] =	ssyncadd.s32 $0xFFFFCE00  }
0x53: {  	[tilespmem:s18], [sflag:$0x1] =	stream.indirect.gather [hbm4b:s2+s21], $0x80, s30, s21, $0xb8;
	[tilespmem:$0x1EDC0] =	vst v63  }
0x54: {  	_ =	swait.ge [sflag:s24], $0x3200  }
0x55: {  	[sflag:s24] =	ssyncset.done $0x0  }
0x56: {  	s30 =	simm.s32 $0x16188;
	[sflag:s24] =	ssyncadd.s32 $0xFFFFCE00  }
0x57: {  	[spmem:s3] =	stream.indirect.scatter.add.f32 [tilespmem:s22], [sflag:$0x4], $0x80, s30, s21, $0xb8;
	[tilespmem:$0x1EDC0] =	vst v63  }
0x58: {  	_ =	swait.ge [sflag:s19], $0x3200  }
0x59: {  	s31 =	simm.s32 $0x680;
	s30 =	simm.s32 $0xD0;
	[sflag:s19] =	ssyncset.done $0x0  }
.LBB2_4:
0x5a: {  	s0 =	sadd.s32 $0x138E8, s30  }
0x5b: {  	[sflag:s19] =	ssyncadd.s32 $0xFFFFCE00;
	s1 =	smov.u32 s31;
	s17 =	sadd.s32 $0x340, s31  }
0x5c: {  	[tilespmem:s22], [sflag:$0x2] =	stream.indirect.gather [hbm4b:s2+s21], $0x80, s0, s21, $0xb8;
	[tilespmem:$0x1EDC0] =	vst v63  }
0x5d: {  	p0 =	sne.s32 s31, $0x9C00;
	_ =	swait.ge [sflag:s23], $0x3200  }
0x5e: {  	[sflag:s23] =	ssyncset.done $0x0  }
0x5f: {  	s0 =	sadd.s32 $0x16120, s30;
	[sflag:s23] =	ssyncadd.s32 $0xFFFFCE00  }
0x60: {  	[spmem:s3] =	stream.indirect.scatter.add.f32 [tilespmem:s18], [sflag:$0x4], $0x80, s0, s21, $0xb8;
	[tilespmem:$0x1EDC0] =	vst v63  }
0x61: {  	_ =	swait.ge [sflag:s19], $0x3200  }
0x62: {  	[sflag:s19] =	ssyncset.done $0x0  }
0x63: {  	s0 =	sadd.s32 $0x13950, s30;
	[sflag:s19] =	ssyncadd.s32 $0xFFFFCE00  }
0x64: {  	[tilespmem:s18], [sflag:$0x1] =	stream.indirect.gather [hbm4b:s2+s21], $0x80, s0, s21, $0xb8;
	[tilespmem:$0x1EDC0] =	vst v63  }
0x65: {  	_ =	swait.ge [sflag:s24], $0x3200  }
.Ltmp1:
0x66: {  	[sflag:s24] =	ssyncset.done $0x0;
	(pc) =	sbr.rel @p0 .LBB2_4-.Ltmp1, $4  }
0x67: {  	s0 =	sadd.s32 $0x16188, s30;
	[sflag:s24] =	ssyncadd.s32 $0xFFFFCE00  }
0x68: {  	[spmem:s3] =	stream.indirect.scatter.add.f32 [tilespmem:s22], [sflag:$0x4], $0x80, s0, s21, $0xb8;
	[tilespmem:$0x1EDC0] =	vst v63  }
0x69: {  	_ =	swait.ge [sflag:s19], $0x3200  }
0x6a: {  	s31 =	smov.u32 s17;
	s30 =	sshra.s32 s1, $0x2;
	[sflag:s19] =	ssyncset.done $0x0  }
0x6b: {  	s0 =	sadd.s32 $0x138E8, s30;
	[sflag:s19] =	ssyncadd.s32 $0xFFFFCE00  }
0x6c: {  	[tilespmem:s22], [sflag:$0x2] =	stream.indirect.gather [hbm4b:s2+s21], $0x80, s0, s21, $0xb8;
	[tilespmem:$0x1EDC0] =	vst v63  }
0x6d: {  	_ =	swait.ge [sflag:s23], $0x3200  }
0x6e: {  	[sflag:s23] =	ssyncset.done $0x0  }
0x6f: {  	s1 =	sadd.s32 $0x16120, s30;
	[sflag:s23] =	ssyncadd.s32 $0xFFFFCE00  }
0x70: {  	[spmem:s3] =	stream.indirect.scatter.add.f32 [tilespmem:s18], [sflag:$0x4], $0x80, s1, s21, $0xb8;
	[tilespmem:$0x1EDC0] =	vst v63  }
0x71: {  	_ =	swait.ge [sflag:s19], $0x3200  }
0x72: {  	[sflag:s19] =	ssyncset.done $0x0  }
0x73: {  	s17 =	sadd.s32 $0x13950, s30;
	[sflag:s19] =	ssyncadd.s32 $0xFFFFCE00  }
0x74: {  	[tilespmem:s18], [sflag:$0x1] =	stream.indirect.gather [hbm4b:s2+s21], $0x80, s17, s21, $0xb8;
	[tilespmem:$0x1EDC0] =	vst v63  }
0x75: {  	_ =	swait.ge [sflag:s24], $0x3200  }
0x76: {  	[sflag:s24] =	ssyncset.done $0x0  }
0x77: {  	s30 =	sadd.s32 $0x16188, s30;
	[sflag:s24] =	ssyncadd.s32 $0xFFFFCE00  }
0x78: {  	[spmem:s3] =	stream.indirect.scatter.add.f32 [tilespmem:s22], [sflag:$0x4], $0x80, s30, s21, $0xb8;
	[tilespmem:$0x1EDC0] =	vst v63  }
0x79: {  	_ =	swait.ge [sflag:s19], $0x3200  }
0x7a: {  	[sflag:s19] =	ssyncset.done $0x0  }
0x7b: {  	[sflag:s19] =	ssyncadd.s32 $0xFFFFCE00  }
0x7c: {  	[tilespmem:s22], [sflag:$0x2] =	stream.indirect.gather [hbm4b:s2+s21], $0x80, s25, s21, $0xb8;
	[tilespmem:$0x1EDC0] =	vst v63  }
0x7d: {  	_ =	swait.ge [sflag:s23], $0x3200  }
0x7e: {  	[sflag:s23] =	ssyncset.done $0x0  }
0x7f: {  	[sflag:s23] =	ssyncadd.s32 $0xFFFFCE00  }
0x80: {  	[spmem:s3] =	stream.indirect.scatter.add.f32 [tilespmem:s18], [sflag:$0x4], $0x80, s26, s21, $0xb8;
	[tilespmem:$0x1EDC0] =	vst v63  }
0x81: {  	_ =	swait.ge [sflag:s19], $0x3200  }
0x82: {  	[sflag:s19] =	ssyncset.done $0x0  }
0x83: {  	[sflag:s19] =	ssyncadd.s32 $0xFFFFCE00  }
0x84: {  	_ =	swait.ge [sflag:s24], $0x3200  }
0x85: {  	[sflag:s24] =	ssyncset.done $0x0  }
0x86: {  	[sflag:s24] =	ssyncadd.s32 $0xFFFFCE00  }
0x87: {  	[spmem:s3] =	stream.indirect.scatter.add.f32 [tilespmem:s22], [sflag:$0x4], $0x80, s28, s21, $0xb8;
	[tilespmem:$0x1EDC0] =	vst v63  }
0x88: {  	s31 =	stileid.u32;
	_ =	swait.ge [sflag:s19], $0x3200  }
0x89: {  	s29 =	sadd.s32 $0x1, s29;
	s0 =	sshll.u32 s31, $0x6;
	[sflag:s19] =	ssyncset.done $0x0  }
0x8a: {  	p0 =	sne.s32 s29, s15;
	s0 =	sor.u32 $0x1C04, s0;
	[sflag:s19] =	ssyncadd.s32 $0xFFFFCE00  }
.Ltmp2:
0x8b: {  	s1 =	sshrl.u32 s7, $0x3;
	[bflag:$0x0] =	sbarrier.arrive $0xFFFF;
	(pc) =	sbr.rel @p0 .LBB2_1-.Ltmp2, $4  }
0x8c: {  	[hbm:s14], [sflag:s0] =	dma.local [spmem:s1], $0x2710  }
0x8d: {  	_ =	swait.ge [sflag:s19], $0x2710  }
0x8e: {  	[sflag:s19] =	ssyncset.done $0x0  }
0x8f: {  	[sflag:s19] =	ssyncadd.s32 $0xFFFFD8F0  }
0x90: {  	_ =	sfence.sel $0x180000  }
0x91: {  	[bflag:$0x0] =	sbarrier.arrive $0xFFFF  }
0x92: {  	_ =	strace $0x9000004D  }
0x93: {  	s0 =	stileid.u32;
	[bflag:$0x2] =	sbarrier.arrive $0xFFFF  }
0x94: {  	p0 =	sne.s32 s0, $0x0;
	s0 =	rddreg [dreg:$0x3]  }
0x95: {  	s0 =	sadd.s32 @!p0 $0x100000, s0  }
0x96: {  	[sflag:s0] =	ssyncadd.tile.s32 @!p0 $0x1;
	_ =	shalt  }
.Lfunc_end2:
_tile_overlayer_lowered:
.L_overlay_start_2:
0x97: {  	(tag) =	ssettag $0x2  }
0x98: {  	s0 =	rddreg [dreg:$0x0];
	s2 =	stileid.u32  }
0x99: {  	s1 =	rddreg [dreg:$0x1];
	p0 =	sne.s32 s2, $0x0  }
0x9a: {  	s3 =	rddreg [dreg:$0x2];
	[bflag:$0x3] =	sbarrier.arrive $0xFFFF;
	s2 =	simm.s32 @!p0 $0x1C04  }
0x9b: {  	[timem:s3], [sflag:s2] =	dma.local @!p0 [hbm:s0], s1  }
0x9c: {  	s0 =	simm.s32 @!p0 $0x4  }
0x9d: {  	_ =	swait.ge @!p0 [sflag:s0], s1  }
0x9e: {  	s1 =	ssub.s32 @!p0 $0x0, s1;
	[sflag:s0] =	ssyncset.done @!p0 $0x0  }
0x9f: {  	[sflag:s0] =	ssyncadd.s32 @!p0 s1  }
0xa0: {  	[bflag:$0x3] =	sbarrier.arrive $0xFFFF  }
0xa1: {  	_ =	shalt  }

// kernel: kernel.8.cloned.1.call-start
scs
__scs_entry_jumppad:
0x0: {  	(pc) =	sbr.rel $0x88, $3  }
0x1: {  	(tag) =	ssettag $0x0;
	lr =	simm.s32 $0x1  }
0x2: {  	[smem:$0x3F93] =	sst lr;
	_ =	strace $0xD0000000  }
0x3: {  	_ = 	snop  }
0x4: {  	_ = 	snop  }
0x5: {  	_ = 	snop  }
0x6: {  	_ = 	snop  }
0x7: {  	_ = 	snop  }
__scs_overlays_trampoline_lowered:
0x8: {  	[smem:$0x3FA2] =	sst s0  }
0x9: {  	[smem:$0x3FA3] =	sst s1  }
0xa: {  	[smem:$0x3FA4] =	sst s2  }
0xb: {  	[smem:$0x3FA5] =	sst s3  }
0xc: {  	[smem:$0x3FA6] =	sst s4  }
0xd: {  	[smem:$0x3FA7] =	sst s5  }
0xe: {  	[smem:$0x3FA8] =	sst s6  }
0xf: {  	[smem:$0x3FA9] =	sst s7  }
0x10: {  	[smem:$0x3FAA] =	sst s8  }
0x11: {  	[smem:$0x3FAB] =	sst s9;
	s0 =	simm.s32 @!p0 $0x0  }
0x12: {  	s1 =	sld [smem:$0x3F91];
	s0 =	simm.s32 @p0 $0x1  }
0x13: {  	[smem:$0x3FAC] =	sst s0;
	s0 =	simm.s32 @!p1 $0x0  }
0x14: {  	s2 =	sld [smem:$0x3F90];
	s0 =	simm.s32 @p1 $0x1  }
0x15: {  	[smem:$0x3FAD] =	sst s0;
	s0 =	simm.s32 @!p2 $0x0  }
0x16: {  	s3 =	sld [smem:$0x3FDB];
	s0 =	simm.s32 @p2 $0x1  }
0x17: {  	s4 =	simm.s32 $0x1BF5;
	[smem:$0x3FAF] =	sst s0  }
0x18: {  	s0 =	sld [smem:$0x3F92];
	_ =	swait.ge [sflag:s4], $0x0  }
0x19: {  	s7 =	sld [smem:$0x3F93]  }
0x1a: {  	s8 =	sadd.s32 $0xFFFFE003, lr  }
0x1b: {  	s9 =	sadd.s32 $0xFFFFFEF7, lr;
	s5 =	simm.s32 $0xFFFFFFFF;
	p2 =	slt.u32 s8, $0xFFFFF086  }
0x1c: {  	p1 =	slt.u32 s9, $0xF7A;
	s5 =	simm.s32 @!p2 $0x0  }
0x1d: {  	s5 =	simm.s32 @p1 $0x1;
	p0 =	seq.s32 s7, s2  }
0x1e: {  	s7 =	smul.u32 @!p0 $0xF7A, s2;
	p2 =	seq.s32 @!p0 s5, $0x0  }
0x1f: {  	s9 =	smul.u32 $0xF7A, s1;
	s8 =	simm.s32 @!p0 $0x1BF5;
	p2 =	por !p2, p0  }
0x20: {  	[sflag:s8] =	ssyncset.s32 @!p0 $0xFFFFF086;
	s6 =	sadd.s32 @!p0 s3, s7;
	s7 =	simm.s32 @!p0 $0x108  }
0x21: {  	s3 =	sadd.s32 s3, s9;
	s6 =	sadd.s32 @!p0 $0x88, s6;
	s7 =	simm.s32 @p2 $0x1082  }
0x22: {  	[simem:s7], [sflag:s8] =	dma.local @!p0 [hbm:s6], $0xF7A  }
0x23: {  	s9 =	sor.u32 $0xD0000000, s2;
	s6 =	simm.s32 $0x108;
	_ =	swait.ge @!p0 [sflag:s8], $0x0  }
0x24: {  	s3 =	sadd.s32 $0x88, s3;
	s6 =	simm.s32 @!p1 $0x1082;
	[sflag:s4] =	ssyncset.s32 $0xFFFFF086  }
0x25: {  	[simem:s6], [sflag:s4] =	dma.local [hbm:s3], $0xF7A  }
0x26: {  	[smem:$0x3F93] =	sst s1;
	(tag) =	ssettag s2;
	_ =	strace s9  }
0x27: {  	s1 =	sld [smem:$0x3FA3]  }
0x28: {  	s2 =	sld [smem:$0x3FA4]  }
0x29: {  	s4 =	sld [smem:$0x3FA6]  }
0x2a: {  	p0 =	seq.s32 s5, $0x0;
	s5 =	sld [smem:$0x3FA7]  }
0x2b: {  	s6 =	sld [smem:$0x3FA8]  }
0x2c: {  	s7 =	sld [smem:$0x3FA9]  }
0x2d: {  	s3 =	simm.s32 $0x108;
	s8 =	sld [smem:$0x3FAA]  }
0x2e: {  	s3 =	simm.s32 @!p0 $0x1082;
	s9 =	sld [smem:$0x3FAB]  }
0x2f: {  	lr =	sadd.s32 s0, s3;
	s0 =	sld [smem:$0x3FA2]  }
0x30: {  	s3 =	sld [smem:$0x3FA5]  }
0x31: {  	[smem:$0x3FAE] =	sst s10  }
0x32: {  	s10 =	sld [smem:$0x3FAC];
	_ =	sdelay $0x3  }
0x33: {  	p0 =	seq.s32 s10, $0x1;
	s10 =	sld [smem:$0x3FAE];
	_ =	sdelay $0x3  }
0x34: {  	[smem:$0x3FAE] =	sst s10  }
0x35: {  	s10 =	sld [smem:$0x3FAD];
	_ =	sdelay $0x3  }
0x36: {  	p1 =	seq.s32 s10, $0x1;
	s10 =	sld [smem:$0x3FAE];
	_ =	sdelay $0x3  }
0x37: {  	[smem:$0x3FAE] =	sst s10  }
0x38: {  	s10 =	sld [smem:$0x3FAF]  }
0x39: {  	_ = 	snop;
	(pc) =	sbr.ind lr, $3  }
0x3a: {  	_ = 	snop  }
0x3b: {  	_ = 	snop  }
0x3c: {  	p2 =	seq.s32 s10, $0x1;
	s10 =	sld [smem:$0x3FAE]  }
0x3d: {  	_ =	shalt  }
0x3e: {  	_ =	shalt  }
0x3f: {  	_ =	shalt  }
0x40: {  	_ =	shalt  }
0x41: {  	_ =	shalt  }
0x42: {  	_ =	shalt  }
0x43: {  	_ =	shalt  }
0x44: {  	_ =	shalt  }
0x45: {  	_ =	shalt  }
0x46: {  	_ =	shalt  }
0x47: {  	_ =	shalt  }
0x48: {  	_ =	shalt  }
0x49: {  	_ =	shalt  }
0x4a: {  	_ =	shalt  }
0x4b: {  	_ =	shalt  }
0x4c: {  	_ =	shalt  }
0x4d: {  	_ =	shalt  }
0x4e: {  	_ =	shalt  }
0x4f: {  	_ =	shalt  }
0x50: {  	_ =	shalt  }
0x51: {  	_ =	shalt  }
0x52: {  	_ =	shalt  }
0x53: {  	_ =	shalt  }
0x54: {  	_ =	shalt  }
0x55: {  	_ =	shalt  }
0x56: {  	_ =	shalt  }
0x57: {  	_ =	shalt  }
0x58: {  	_ =	shalt  }
0x59: {  	_ =	shalt  }
0x5a: {  	_ =	shalt  }
0x5b: {  	_ =	shalt  }
0x5c: {  	_ =	shalt  }
0x5d: {  	_ =	shalt  }
0x5e: {  	_ =	shalt  }
0x5f: {  	_ =	shalt  }
0x60: {  	_ =	shalt  }
0x61: {  	_ =	shalt  }
0x62: {  	_ =	shalt  }
0x63: {  	_ =	shalt  }
0x64: {  	_ =	shalt  }
0x65: {  	_ =	shalt  }
0x66: {  	_ =	shalt  }
0x67: {  	_ =	shalt  }
0x68: {  	_ =	shalt  }
0x69: {  	_ =	shalt  }
0x6a: {  	_ =	shalt  }
0x6b: {  	_ =	shalt  }
0x6c: {  	_ =	shalt  }
0x6d: {  	_ =	shalt  }
0x6e: {  	_ =	shalt  }
0x6f: {  	_ =	shalt  }
0x70: {  	_ =	shalt  }
0x71: {  	_ =	shalt  }
0x72: {  	_ =	shalt  }
0x73: {  	_ =	shalt  }
0x74: {  	_ =	shalt  }
0x75: {  	_ =	shalt  }
0x76: {  	_ =	shalt  }
0x77: {  	_ =	shalt  }
0x78: {  	_ =	shalt  }
0x79: {  	_ =	shalt  }
0x7a: {  	_ =	shalt  }
0x7b: {  	_ =	shalt  }
0x7c: {  	_ =	shalt  }
0x7d: {  	_ =	shalt  }
0x7e: {  	_ =	shalt  }
0x7f: {  	_ =	shalt  }
0x80: {  	_ =	shalt  }
0x81: {  	_ =	shalt  }
0x82: {  	_ =	shalt  }
0x83: {  	_ =	shalt  }
0x84: {  	_ =	shalt  }
0x85: {  	_ =	shalt  }
0x86: {  	_ =	shalt  }
0x87: {  	_ =	shalt  }
.Lfunc_end0:
.L_simem_size_0:
called_computation_lowered:
.L_overlay_start_0:
0x88: {  	s2 =	sld [smem:$0x3FD9]  }
0x89: {  	s3 =	sld [smem:$0x3FFE];
	_ =	sdelay $0x1  }
0x8a: {  	s1 =	srdreg.scid  }
0x8b: {  	s0 =	sand.u32 $0x1, s1  }
0x8c: {  	s17 =	sshll.u32 s0, $0xA;
	s2 =	sadd.s32 s3, s2  }
0x8d: {  	s2 =	sadd.s32 s2, s17  }
0x8e: {  	[smem:$0x3FBA] =	sst s2  }
0x8f: {  	_ = 	snop  }
0x90: {  	s2 =	sld [smem:$0x3FD0];
	(tm) =	ssettm $0x1  }
0x91: {  	s18 =	sld [smem:$0x3FFB];
	_ =	sdelay $0x3  }
0x92: {  	_ =	strace s18  }
0x93: {  	s3 =	sld [smem:$0x3FFC];
	_ =	sdelay $0x3  }
0x94: {  	_ =	strace s3  }
0x95: {  	s3 =	sld [smem:$0x3FFD];
	_ =	sdelay $0x3  }
0x96: {  	_ =	strace s3  }
0x97: {  	_ =	strace $0x8FFFFFFF  }
0x98: {  	s19 =	sld [smem:$0x3FDB];
	_ =	sdelay $0x1  }
0x99: {  	s4 =	simm.s32 $_scs_section_size  }
0x9a: {  	s5 =	simm.s32 $_size__tile_overlayer_lowered;
	s6 =	simm.s32 $_tile_overlayer_lowered  }
0x9b: {  	s22 =	simm.s32 $0x1BFF;
	s21 =	sshll.u32 s6, $0x1;
	s3 =	sadd.s32 s4, s19  }
0x9c: {  	s7 =	simm.s32 $0x0;
	s20 =	sshll.u32 s5, $0x1;
	s5 =	sadd.s32 s21, s3  }
0x9d: {  	[timem:s7], [sflag:s22] =	dma.local [hbm:s5], s20  }
0x9e: {  	_ =	swait.ge [sflag:s22], s20  }
0x9f: {  	s4 =	ssub.s32 $0x0, s20;
	[sflag:s22] =	ssyncset.done $0x0  }
0xa0: {  	[sflag:s22] =	ssyncadd.s32 s4;
	_ =	sdelay $0x1  }
0xa1: {  	s23 =	simm.s32 $0x1B8B  }
0xa2: {  	_ =	swait.ge [sflag:s23], $0x1  }
0xa3: {  	[sflag:s23] =	ssyncset.done $0x0  }
0xa4: {  	s25 =	simm.s32 $0x1B8E;
	s24 =	sld [smem:$0x3FFE];
	[sflag:s23] =	ssyncadd.s32 $0xFFFFFFFF  }
0xa5: {  	s26 =	simm.s32 $execute0_lowered;
	[smem:$0x3FD2] =	sst s25  }
0xa6: {  	s5 =	sshll.u32 s26, $0x1;
	_ =	strace $0x80000046;
	[dreg:$0x1] =	wrdreg $0xFFFFFFFF  }
0xa7: {  	s28 =	simm.s32 $_size_execute0_lowered;
	s3 =	sadd.s32 s3, s5;
	[dreg:$0x0] =	wrdreg $0x0  }
0xa8: {  	s5 =	sshll.u32 s28, $0x1;
	[dreg:$0x2] =	wrdreg s3  }
0xa9: {  	[dreg:$0x3] =	wrdreg s5  }
0xaa: {  	[dreg:$0x4] =	wrdreg $0xC0  }
0xab: {  	_ =	task [dreg:s7], $0x5FFFF  }
0xac: {  	[dreg:$0x1] =	wrdreg $0xFFFFFFFF  }
0xad: {  	[dreg:$0x0] =	wrdreg $0x60  }
0xae: {  	[dreg:$0x2] =	wrdreg s24  }
0xaf: {  	[dreg:$0x3] =	wrdreg s2  }
0xb0: {  	[dreg:$0x4] =	wrdreg $0x9  }
0xb1: {  	_ =	task.clear_ibuf [dreg:s7], $0x5FFFF;
	_ =	strace $0x90000046  }
0xb2: {  	s29 =	simm.s32 $0x9;
	_ =	strace $0x80000048  }
0xb3: {  	_ =	swait.ge [sflag:s29], $0x1  }
0xb4: {  	[sflag:s29] =	ssyncadd.s32 $0xFFFFFFFF  }
0xb5: {  	_ =	strace $0x90000048  }
0xb6: {  	_ =	sfence  }
0xb7: {  	s30 =	sld [smem:$0x0];
	_ =	sdelay $0x2  }
0xb8: {  	s31 =	sshll.u32 s1, $0xD;
	s1 =	sshrl.u32 s1, $0x2  }
0xb9: {  	s3 =	sand.u32 $0x4000, s31;
	s1 =	sadd.s32 s1, s30  }
0xba: {  	s0 =	sor.u32 s3, s0;
	s1 =	sshll.u32 s1, $0x11  }
0xbb: {  	s0 =	sor.u32 s1, s0  }
0xbc: {  	s0 =	sadd.s32 $0x8F2B, s0  }
0xbd: {  	[sflag:s0] =	ssyncadd.remote.s32 $0x1  }
0xbe: {  	_ =	sfence.sel $0xFFFF  }
0xbf: {  	[dreg:$0x0] =	wrdreg $0xFFFFFFFF;
	(pc) =	sbr.abs _section_cstart, $3  }
0xc0: {  	[dreg:$0x1] =	wrdreg $0xFFFFFFFF  }
0xc1: {  	_ =	task.clear_ibuf [dreg:s7], $0x2FFFF;
	_ =	strace $0x9FFFFFFF  }
0xc2: {  	(tm) =	ssettm $0x7FFFFFFF  }
0xc3: {  	_ =	shalt  }
tec
execute0_lowered:
.L_overlay_start_1:
0x0: {  	(tag) =	ssettag $0x1  }
0x1: {  	s0 =	srdreg.scid  }
0x2: {  	s3 =	rddreg [dreg:$0x0];
	s4 =	sand.u32 $0x1, s0  }
0x3: {  	s5 =	rddreg [dreg:$0x1];
	s1 =	stileid.u32;
	s2 =	sshll.u32 s4, $0x4  }
0x4: {  	s0 =	rddreg [dreg:$0x2];
	s6 =	sor.u32 s1, s2  }
0x5: {  	s4 =	ssub.s32 $0x2, s4;
	s2 =	simm.s32 $0x0;
	s7 =	smul.u32 $0x4E2, s6  }
0x6: {  	s8 =	sshrl.u32 s4, $0x1;
	[smem:$0x7FF] =	sst s2;
	s6 =	smul.u32 $0x500, s6  }
0x7: {  	s31 =	ssub.s32 s4, s8;
	s8 =	simm.s32 $0x0;
	_ =	strace $0x80000047  }
0x8: {  	s3 =	sadd.s32 s7, s3;
	s4 =	sadd.s32 s5, s6;
	s5 =	smax.u32 s31, $0x1  }
0x9: {  	v0 =	vimm.f32 $0.0e+00;
	v1 =	vimm.f32 $1.000000000e+00;
	s6 =	simm.s32 $0x2800;
	s7 =	simm.s32 $0x1;
	s3 =	sadd.s32 $0x4800, s3  }
.LBB2_1:
0xa: {  	s9 =	simm.s32 $0x40;
	s10 =	simm.s32 $0x0  }
.LBB2_2:
0xb: {  	p0 =	sne.s32 s9, $0x9FC0;
	[tilespmem:s10+$0x0] =	vst v0;
	s10 =	smov.u32 s9;
	s9 =	sadd.s32 $0x40, s9  }
.Ltmp0:
0xc: {  	(pc) =	sbr.rel @p0 .LBB2_2-.Ltmp0, $2  }
0xd: {  	_ =	sdelay $0x2  }
0xe: {  	s10 =	sshra.s32 s10, $0x2  }
0xf: {  	[tilespmem:s10+$0x0] =	vst v0;
	s9 =	simm.s32 $0x0  }
0x10: {  	[tilespmem:s6], [sflag:$0x1] =	stream.linear.gather [hbm4b:s3+s9], $0x2710, $0x38;
	[tilespmem:$0x4F10] =	vst v63  }
0x11: {  	_ =	swait.ge [sflag:s7], $0x2710  }
0x12: {  	[sflag:s7] =	ssyncset.done $0x0  }
0x13: {  	s10 =	simm.s32 $0x0;
	s9 =	simm.s32 $0x40;
	[sflag:s7] =	ssyncadd.s32 $0xFFFFD8F0  }
.LBB2_4:
0x14: {  	p0 =	sne.s32 s9, $0x9C00;
	v2 =	vld [tilespmem:s10+$0x2800];
	_ =	sdelay $0x3  }
.Ltmp1:
0x15: {  	(pc) =	sbr.rel @p0 .LBB2_4-.Ltmp1, $2  }
0x16: {  	_ =	sdelay $0x2  }
0x17: {  	s10 =	sshra.s32 s9, $0x2;
	s9 =	sadd.s32 $0x40, s9;
	[tilespmem:v2+s2+$0x0] =	vst.idx.add.f32.msk $0xffff, v1  }
0x18: {  	v2 =	vld [tilespmem:s10+$0x2800];
	_ =	sdelay $0x5  }
0x19: {  	s8 =	sadd.s32 $0x1, s8  }
0x1a: {  	p0 =	sne.s32 s8, s5  }
.Ltmp2:
0x1b: {  	[tilespmem:v2+s2+$0x0] =	vst.idx.add.f32.msk $0xffff, v1;
	(pc) =	sbr.rel @p0 .LBB2_1-.Ltmp2, $4  }
0x1c: {  	[hbm4b:s4+s2] =	stream.linear.scatter [tilespmem:s2], [sflag:$0x1], $0x2800, $0x38;
	[tilespmem:$0x4F10] =	vst v63  }
0x1d: {  	_ =	swait.ge [sflag:s7], $0x2800  }
0x1e: {  	[sflag:s7] =	ssyncset.done $0x0  }
0x1f: {  	[sflag:s7] =	ssyncadd.s32 $0xFFFFD800  }
0x20: {  	_ =	sfence.sel $0x180000  }
0x21: {  	[bflag:$0x0] =	sbarrier.arrive $0xFFFF  }
0x22: {  	p0 =	sne.s32 s1, $0x0;
	_ =	strace $0x90000047  }
0x23: {  	s0 =	sadd.s32 @!p0 $0x100000, s0;
	[bflag:$0x2] =	sbarrier.arrive $0xFFFF  }
0x24: {  	[sflag:s0] =	ssyncadd.tile.s32 @!p0 $0x1;
	_ =	shalt  }
.Lfunc_end2:
_tile_overlayer_lowered:
.L_overlay_start_2:
0x25: {  	(tag) =	ssettag $0x2  }
0x26: {  	s0 =	rddreg [dreg:$0x0];
	s2 =	stileid.u32  }
0x27: {  	s1 =	rddreg [dreg:$0x1];
	p0 =	sne.s32 s2, $0x0  }
0x28: {  	s3 =	rddreg [dreg:$0x2];
	[bflag:$0x3] =	sbarrier.arrive $0xFFFF;
	s2 =	simm.s32 @!p0 $0x1C01  }
0x29: {  	[timem:s3], [sflag:s2] =	dma.local @!p0 [hbm:s0], s1  }
0x2a: {  	s0 =	simm.s32 @!p0 $0x1  }
0x2b: {  	_ =	swait.ge @!p0 [sflag:s0], s1  }
0x2c: {  	s1 =	ssub.s32 @!p0 $0x0, s1;
	[sflag:s0] =	ssyncset.done @!p0 $0x0  }
0x2d: {  	[sflag:s0] =	ssyncadd.s32 @!p0 s1  }
0x2e: {  	[bflag:$0x3] =	sbarrier.arrive $0xFFFF  }
0x2f: {  	_ =	shalt  }

</sc_bundles>
